<compile_context>
chip_gen: v7x
topology: tpu7x:2x2x1
jax: 0.10.2.dev20260603
libtpu: 0.0.44.dev20260713+nightly
codegen_flags: <defaults>
</compile_context>

<pallas_src>
import functools

import jax
import jax.numpy as jnp
from jax import lax
from jax.experimental import pallas as pl
from jax.experimental.pallas import tpu as pltpu
from jax.experimental.pallas import tpu_sc as plsc

_NC = 2
_NS = 16
_D = 128
_CH = 128
_NP = 10240


def _sc_segment_sums(h, edge_index):
    n = h.shape[0]
    e = edge_index.shape[1]
    half = e // 2
    chunks_half = half // _CH
    base_chunks = chunks_half // _NS
    extra = chunks_half - base_chunks * _NS
    n_pairs = base_chunks // 2
    rows_per_tile = n // _NS
    drows_per_tile = _NP // _NS
    assert half % _CH == 0 and base_chunks % 2 == 0 and n % _NS == 0
    assert extra < _NS

    ei = edge_index.reshape(e // 64, _CH)
    dplane = e // _CH

    mesh = plsc.VectorSubcoreMesh(
        core_axis_name="c", subcore_axis_name="s",
        num_cores=_NC, num_subcores=_NS)

    @functools.partial(
        pl.kernel,
        out_type=(jax.ShapeDtypeStruct((_NC, n, _D), jnp.float32),
                  jax.ShapeDtypeStruct((_NC, _NP), jnp.float32)),
        mesh=mesh,
        compiler_params=pltpu.CompilerParams(use_tc_tiling_on_sc=False),
        scratch_types=[
            pltpu.VMEM_SHARED((n, _D), jnp.float32),
            pltpu.VMEM_SHARED((_NP,), jnp.float32),
            pltpu.VMEM((_CH, _D), jnp.float32),
            pltpu.VMEM((_CH, _D), jnp.float32),
            pltpu.VMEM((1, _CH), jnp.int32),
            pltpu.VMEM((1, _CH), jnp.int32),
            pltpu.VMEM((base_chunks + 1, _CH), jnp.int32),
            pltpu.VMEM((_CH,), jnp.float32),
            pltpu.SemaphoreType.DMA,
            pltpu.SemaphoreType.DMA,
            pltpu.SemaphoreType.DMA,
        ],
    )
    def seg_sum(h_hbm, ei_hbm, zf_hbm, zd_hbm, feats_hbm, deg_hbm,
                acc, dacc, rows0, rows1, s0, s1, dall, ones,
                sem0, sem1, semo):
        g = lax.axis_index("c")
        s = lax.axis_index("s")
        frow = s * rows_per_tile
        drow = s * drows_per_tile
        pltpu.sync_copy(zf_hbm, acc.at[pl.ds(frow, rows_per_tile)])
        pltpu.sync_copy(zd_hbm, dacc.at[pl.ds(drow, drows_per_tile)])
        for j in range(8):
            ones[pl.ds(16 * j, 16)] = jnp.ones((16,), jnp.float32)

        cb = g * chunks_half + s * base_chunks + jnp.minimum(s, extra)
        pltpu.sync_copy(ei_hbm.at[pl.ds(dplane + cb, base_chunks)],
                        dall.at[pl.ds(0, base_chunks)])

        @pl.when(s < extra)
        def _():
            pltpu.sync_copy(ei_hbm.at[dplane + cb + base_chunks],
                            dall.at[base_chunks])
        plsc.subcore_barrier()

        def ones_go(k):
            pltpu.async_copy(ones, dacc.at[dall.at[k]], semo, add=True)

        def ones_wait(_i, carry):
            pltpu.make_async_copy(ones, dacc.at[dall.at[0]], semo).wait()
            return carry

        pltpu.sync_copy(ei_hbm.at[cb], s0.at[0])
        pltpu.async_copy(h_hbm.at[s0.at[0]], rows0, sem0)
        ones_go(0)

        def body(i, carry):
            c = cb + 2 * i
            k = 2 * i
            pltpu.sync_copy(ei_hbm.at[c + 1], s1.at[0])
            pltpu.async_copy(h_hbm.at[s1.at[0]], rows1, sem1)
            ones_go(k + 1)
            pltpu.make_async_copy(h_hbm.at[s0.at[0]], rows0, sem0).wait()
            pltpu.sync_copy(rows0, acc.at[dall.at[k]], add=True)

            @pl.when(i < n_pairs - 1)
            def _():
                pltpu.sync_copy(ei_hbm.at[c + 2], s0.at[0])
                pltpu.async_copy(h_hbm.at[s0.at[0]], rows0, sem0)
                ones_go(k + 2)

            pltpu.make_async_copy(h_hbm.at[s1.at[0]], rows1, sem1).wait()
            pltpu.sync_copy(rows1, acc.at[dall.at[k + 1]], add=True)
            return carry

        lax.fori_loop(0, n_pairs, body, 0)

        @pl.when(s < extra)
        def _():
            c = cb + base_chunks
            pltpu.sync_copy(ei_hbm.at[c], s0.at[0])
            pltpu.async_copy(h_hbm.at[s0.at[0]], rows0, sem0)
            ones_go(base_chunks)
            pltpu.make_async_copy(h_hbm.at[s0.at[0]], rows0, sem0).wait()
            pltpu.sync_copy(rows0, acc.at[dall.at[base_chunks]], add=True)

        lax.fori_loop(0, base_chunks + jnp.where(s < extra, 1, 0),
                      ones_wait, 0)
        plsc.subcore_barrier()
        pltpu.sync_copy(acc.at[pl.ds(frow, rows_per_tile)],
                        feats_hbm.at[g, pl.ds(frow, rows_per_tile)])
        pltpu.sync_copy(dacc.at[pl.ds(drow, drows_per_tile)],
                        deg_hbm.at[g, pl.ds(drow, drows_per_tile)])

    zf = jnp.zeros((rows_per_tile, _D), jnp.float32)
    zd = jnp.zeros((drows_per_tile,), jnp.float32)
    return seg_sum(h, ei, zf, zd)


def _tc_dense(h, r2, feats, deg, W_O_w, b_O, W_I_w, b_I, W_S_w, b_S,
              W_R_w, b_R):
    n = h.shape[0]
    bn = 2048
    grid = _NP // bn
    sub = bn // _D

    def body(h_ref, f_ref, deg_ref, r_ref, wo_ref, bo_ref, wi_ref, bi_ref,
             ws_ref, bs_ref, wr_ref, br_ref, out_ref, rout_ref):
        i = pl.program_id(0)
        hv = h_ref[...]
        h3 = hv.reshape(sub, _D, _D)
        d3 = deg_ref[...].reshape(_NC, sub, _D)
        do = d3[0][:, :, None]
        di = d3[1][:, :, None]
        xs = hv - r_ref[...]
        xo = (f_ref[0].reshape(sub, _D, _D) - do * h3).reshape(bn, _D)
        xi = (f_ref[1].reshape(sub, _D, _D) - di * h3).reshape(bn, _D)
        hi = jax.lax.Precision.HIGHEST
        acc = jnp.dot(xs, ws_ref[...], precision=hi,
                      preferred_element_type=jnp.float32)
        acc += jnp.dot(xo, wo_ref[...], precision=hi,
                       preferred_element_type=jnp.float32)
        acc += jnp.dot(xi, wi_ref[...], precision=hi,
                       preferred_element_type=jnp.float32)
        bias = (do * bo_ref[...].reshape(1, 1, _D)
                + di * bi_ref[...].reshape(1, 1, _D)).reshape(bn, _D)
        out_ref[...] = acc + bs_ref[...] + bias

        @pl.when(i == 0)
        def _():
            rout_ref[...] = (
                jnp.dot(r_ref[...], wr_ref[...],
                        precision=jax.lax.Precision.HIGHEST,
                        preferred_element_type=jnp.float32) + br_ref[...])

    full = lambda shape: pl.BlockSpec(shape, lambda i: tuple(0 for _ in shape))
    return pl.pallas_call(
        body,
        grid=(grid,),
        in_specs=[
            pl.BlockSpec((bn, _D), lambda i: (i, 0)),
            pl.BlockSpec((_NC, bn, _D), lambda i: (0, i, 0)),
            pl.BlockSpec((_NC, bn), lambda i: (0, i)),
            full((1, _D)),
            full((_D, _D)), full((1, _D)),
            full((_D, _D)), full((1, _D)),
            full((_D, _D)), full((1, _D)),
            full((_D, _D)), full((1, _D)),
        ],
        out_specs=[
            pl.BlockSpec((bn, _D), lambda i: (i, 0)),
            pl.BlockSpec((1, _D), lambda i: (0, 0)),
        ],
        out_shape=[
            jax.ShapeDtypeStruct((n, _D), jnp.float32),
            jax.ShapeDtypeStruct((1, _D), jnp.float32),
        ],
    )(h, feats, deg, r2, W_O_w, b_O, W_I_w, b_I, W_S_w, b_S, W_R_w, b_R)


def kernel(n_in_feats, r_feats, edge_index, W_O_w, W_O_b, W_I_w, W_I_b,
           W_S_w, W_S_b, W_R_w, W_R_b):
    feats, deg = _sc_segment_sums(n_in_feats, edge_index)
    n_out, r_out = _tc_dense(
        n_in_feats, r_feats.reshape(1, _D), feats, deg,
        W_O_w, W_O_b.reshape(1, _D), W_I_w, W_I_b.reshape(1, _D),
        W_S_w, W_S_b.reshape(1, _D), W_R_w, W_R_b.reshape(1, _D))
    return (n_out, r_out.reshape(_D))

# --- scband reference (transcript-rebuilt; emitter-appended) ---
"""Pipeline reference for scband-comp-graph-conv-47622597378119 (READ-ONLY COPY).

The authoritative reference and input builder live on the scoring server;
editing this copy changes nothing except your own understanding.
"""

import jax, jax.numpy as jnp
import numpy as np

N = 10000
E = 320000
D_IN = 128
D_OUT = 128

def _linear_params(key, d_in, d_out):
    k1, k2 = jax.random.split(key)
    bound = 1.0 / np.sqrt(d_in)
    W = jax.random.uniform(k1, (d_in, d_out), minval=-bound, maxval=bound, dtype=jnp.float32)
    b = jax.random.uniform(k2, (d_out,), minval=-bound, maxval=bound, dtype=jnp.float32)
    return W, b

def setup_inputs(seed: int = 0) -> dict:
    key = jax.random.key(seed)
    ks = jax.random.split(key, 8)
    n_in_feats = jax.random.normal(ks[0], (N, D_IN), dtype=jnp.float32)
    r_feats = jax.random.normal(ks[1], (D_IN,), dtype=jnp.float32)
    edge_index = jax.random.randint(ks[2], (2, E), 0, N, dtype=jnp.int32)
    W_O_w, W_O_b = _linear_params(ks[3], D_IN, D_OUT)
    W_I_w, W_I_b = _linear_params(ks[4], D_IN, D_OUT)
    W_S_w, W_S_b = _linear_params(ks[5], D_IN, D_OUT)
    W_R_w, W_R_b = _linear_params(ks[6], D_IN, D_OUT)
    return {
        'n_in_feats': n_in_feats,
        'r_feats': r_feats,
        'edge_index': edge_index,
        'W_O_w': W_O_w, 'W_O_b': W_O_b,
        'W_I_w': W_I_w, 'W_I_b': W_I_b,
        'W_S_w': W_S_w, 'W_S_b': W_S_b,
        'W_R_w': W_R_w, 'W_R_b': W_R_b,
    }

def reference(n_in_feats, r_feats, edge_index, W_O_w, W_O_b, W_I_w, W_I_b, W_S_w, W_S_b, W_R_w, W_R_b):
    src = edge_index[0]
    dst = edge_index[1]
    # comp_fn == 'sub': u_sub_v on node feature 'h' -> h_src - h_dst per edge
    comp_h = jnp.take(n_in_feats, src, axis=0) - jnp.take(n_in_feats, dst, axis=0)
    half = comp_h.shape[0] // 2
    comp_h_O = comp_h[:half] @ W_O_w + W_O_b
    comp_h_I = comp_h[half:] @ W_I_w + W_I_b
    new_comp_h = jnp.concatenate([comp_h_O, comp_h_I], axis=0)
    # update_all(copy_e, sum): scatter-add edge messages to destination nodes
    comp_edge = jax.ops.segment_sum(new_comp_h, dst, num_segments=n_in_feats.shape[0])
    # self composition: sub
    comp_h_s = n_in_feats - r_feats[None, :]
    n_out_feats = comp_h_s @ W_S_w + W_S_b + comp_edge
    r_out_feats = r_feats @ W_R_w + W_R_b
    # dropout=0, no batchnorm, no activation -> identity
    return (n_out_feats, r_out_feats)

if __name__ == "__main__":
    import jax
    _d = setup_inputs()
    print(jax.jit(kernel)(*tuple(_d.values())))

</pallas_src>

<mosaic_0001>
#map = affine_map<(d0, d1) -> (0, 0)>
#map1 = affine_map<(d0, d1) -> (0)>
#map2 = affine_map<(d0, d1) -> (0, 0, 0)>
module attributes {stable_mosaic.version = 14 : i64} {
  func.func @seg_sum(%arg0: i32, %arg1: i32, %arg2: memref<10000x128xf32, #tpu.memory_space<hbm>>, %arg3: memref<5000x128xi32, #tpu.memory_space<hbm>>, %arg4: memref<625x128xf32, #tpu.memory_space<hbm>>, %arg5: memref<640xf32, #tpu.memory_space<hbm>>, %arg6: memref<2x10000x128xf32, #tpu.memory_space<hbm>>, %arg7: memref<2x10240xf32, #tpu.memory_space<hbm>>, %arg8: memref<10000x128xf32, #tpu.memory_space<vmem_shared>>, %arg9: memref<10240xf32, #tpu.memory_space<vmem_shared>>, %arg10: memref<128x128xf32, #tpu.memory_space<vmem>>, %arg11: memref<128x128xf32, #tpu.memory_space<vmem>>, %arg12: memref<1x128xi32, #tpu.memory_space<vmem>>, %arg13: memref<1x128xi32, #tpu.memory_space<vmem>>, %arg14: memref<79x128xi32, #tpu.memory_space<vmem>>, %arg15: memref<128xf32, #tpu.memory_space<vmem>>, %arg16: memref<!tpu.dma_semaphore, #tpu.memory_space<semaphore_mem>>, %arg17: memref<!tpu.dma_semaphore, #tpu.memory_space<semaphore_mem>>, %arg18: memref<!tpu.dma_semaphore, #tpu.memory_space<semaphore_mem>>) attributes {dimension_semantics = [#tpu.dimension_semantics<core_parallel>, #tpu.dimension_semantics<subcore_parallel>], iteration_bounds = array<i64: 2, 16>, scalar_prefetch = 0 : i64, scratch_operands = 11 : i64, tpu.core_type = #tpu.core_type<sc_vector_subcore>, window_params = [{transform_indices = #map}, {transform_indices = #map}, {transform_indices = #map}, {transform_indices = #map1}, {transform_indices = #map2}, {transform_indices = #map}]} {
    %mul3A = arith.constant 625 : i32
    %mul3A_0 = arith.muli %arg1, %mul3A : i32
    %mul3A_1 = arith.constant 640 : i32
    %mul3A_2 = arith.muli %arg1, %mul3A_1 : i32
    "tpu.region"() ({
      %run_scoped3A_96 = tpu.sem_alloc : memref<!tpu.dma_semaphore, #tpu.memory_space<semaphore_mem>>
      %dma_start3A_97 = arith.constant 0 : i32
      %dma_start3A_98 = tpu.memref_slice %arg8[%mul3A_0, %dma_start3A_97] : memref<10000x128xf32, #tpu.memory_space<vmem_shared>> -> memref<625x128xf32, #tpu.memory_space<vmem_shared>>
      tpu.enqueue_dma source(%arg4 : memref<625x128xf32, #tpu.memory_space<hbm>>) target(%dma_start3A_98 : memref<625x128xf32, #tpu.memory_space<vmem_shared>>) target_semaphore(%run_scoped3A_96 : memref<!tpu.dma_semaphore, #tpu.memory_space<semaphore_mem>>)
      %dma_wait3A = arith.constant 0 : i32
      %dma_wait3A_99 = tpu.memref_slice %arg8[%mul3A_0, %dma_wait3A] : memref<10000x128xf32, #tpu.memory_space<vmem_shared>> -> memref<625x128xf32, #tpu.memory_space<vmem_shared>>
      tpu.wait_dma2 semaphore(%run_scoped3A_96 : memref<!tpu.dma_semaphore, #tpu.memory_space<semaphore_mem>>) src(%arg4 : memref<625x128xf32, #tpu.memory_space<hbm>>) dst(%dma_wait3A_99 : memref<625x128xf32, #tpu.memory_space<vmem_shared>>)
      tpu.yield
    }) : () -> ()
    "tpu.region"() ({
      %run_scoped3A_96 = tpu.sem_alloc : memref<!tpu.dma_semaphore, #tpu.memory_space<semaphore_mem>>
      %dma_start3A_97 = tpu.memref_slice %arg9[%mul3A_2] : memref<10240xf32, #tpu.memory_space<vmem_shared>> -> memref<640xf32, #tpu.memory_space<vmem_shared>>
      tpu.enqueue_dma source(%arg5 : memref<640xf32, #tpu.memory_space<hbm>>) target(%dma_start3A_97 : memref<640xf32, #tpu.memory_space<vmem_shared>>) target_semaphore(%run_scoped3A_96 : memref<!tpu.dma_semaphore, #tpu.memory_space<semaphore_mem>>)
      %dma_wait3A = tpu.memref_slice %arg9[%mul3A_2] : memref<10240xf32, #tpu.memory_space<vmem_shared>> -> memref<640xf32, #tpu.memory_space<vmem_shared>>
      tpu.wait_dma2 semaphore(%run_scoped3A_96 : memref<!tpu.dma_semaphore, #tpu.memory_space<semaphore_mem>>) src(%arg5 : memref<640xf32, #tpu.memory_space<hbm>>) dst(%dma_wait3A : memref<640xf32, #tpu.memory_space<vmem_shared>>)
      tpu.yield
    }) : () -> ()
    %broadcast_in_dim3A = arith.constant 1.000000e+00 : f32
    %broadcast_in_dim3A_3 = vector.broadcast %broadcast_in_dim3A : f32 to vector<16xf32>
    %swap3A = arith.constant 0 : index
    %swap3A_4 = tpu.vector_load %arg15[%swap3A] {strides = array<i32>} : memref<128xf32, #tpu.memory_space<vmem>>, vector<16xf32>,
    %swap3A_5 = vector.shape_cast %swap3A_4 : vector<16xf32> to vector<16xf32>
    %swap3A_6 = vector.shape_cast %broadcast_in_dim3A_3 : vector<16xf32> to vector<16xf32>
    tpu.vector_store %arg15[%swap3A], %swap3A_6 {strides = array<i32>} : memref<128xf32, #tpu.memory_space<vmem>>, vector<16xf32>,
    %broadcast_in_dim3A_7 = arith.constant 1.000000e+00 : f32
    %broadcast_in_dim3A_8 = vector.broadcast %broadcast_in_dim3A_7 : f32 to vector<16xf32>
    %swap3A_9 = arith.constant 16 : index
    %swap3A_10 = tpu.vector_load %arg15[%swap3A_9] {strides = array<i32>} : memref<128xf32, #tpu.memory_space<vmem>>, vector<16xf32>,
    %swap3A_11 = vector.shape_cast %swap3A_10 : vector<16xf32> to vector<16xf32>
    %swap3A_12 = vector.shape_cast %broadcast_in_dim3A_8 : vector<16xf32> to vector<16xf32>
    tpu.vector_store %arg15[%swap3A_9], %swap3A_12 {strides = array<i32>} : memref<128xf32, #tpu.memory_space<vmem>>, vector<16xf32>,
    %broadcast_in_dim3A_13 = arith.constant 1.000000e+00 : f32
    %broadcast_in_dim3A_14 = vector.broadcast %broadcast_in_dim3A_13 : f32 to vector<16xf32>
    %swap3A_15 = arith.constant 32 : index
    %swap3A_16 = tpu.vector_load %arg15[%swap3A_15] {strides = array<i32>} : memref<128xf32, #tpu.memory_space<vmem>>, vector<16xf32>,
    %swap3A_17 = vector.shape_cast %swap3A_16 : vector<16xf32> to vector<16xf32>
    %swap3A_18 = vector.shape_cast %broadcast_in_dim3A_14 : vector<16xf32> to vector<16xf32>
    tpu.vector_store %arg15[%swap3A_15], %swap3A_18 {strides = array<i32>} : memref<128xf32, #tpu.memory_space<vmem>>, vector<16xf32>,
    %broadcast_in_dim3A_19 = arith.constant 1.000000e+00 : f32
    %broadcast_in_dim3A_20 = vector.broadcast %broadcast_in_dim3A_19 : f32 to vector<16xf32>
    %swap3A_21 = arith.constant 48 : index
    %swap3A_22 = tpu.vector_load %arg15[%swap3A_21] {strides = array<i32>} : memref<128xf32, #tpu.memory_space<vmem>>, vector<16xf32>,
    %swap3A_23 = vector.shape_cast %swap3A_22 : vector<16xf32> to vector<16xf32>
    %swap3A_24 = vector.shape_cast %broadcast_in_dim3A_20 : vector<16xf32> to vector<16xf32>
    tpu.vector_store %arg15[%swap3A_21], %swap3A_24 {strides = array<i32>} : memref<128xf32, #tpu.memory_space<vmem>>, vector<16xf32>,
    %broadcast_in_dim3A_25 = arith.constant 1.000000e+00 : f32
    %broadcast_in_dim3A_26 = vector.broadcast %broadcast_in_dim3A_25 : f32 to vector<16xf32>
    %swap3A_27 = arith.constant 64 : index
    %swap3A_28 = tpu.vector_load %arg15[%swap3A_27] {strides = array<i32>} : memref<128xf32, #tpu.memory_space<vmem>>, vector<16xf32>,
    %swap3A_29 = vector.shape_cast %swap3A_28 : vector<16xf32> to vector<16xf32>
    %swap3A_30 = vector.shape_cast %broadcast_in_dim3A_26 : vector<16xf32> to vector<16xf32>
    tpu.vector_store %arg15[%swap3A_27], %swap3A_30 {strides = array<i32>} : memref<128xf32, #tpu.memory_space<vmem>>, vector<16xf32>,
    %broadcast_in_dim3A_31 = arith.constant 1.000000e+00 : f32
    %broadcast_in_dim3A_32 = vector.broadcast %broadcast_in_dim3A_31 : f32 to vector<16xf32>
    %swap3A_33 = arith.constant 80 : index
    %swap3A_34 = tpu.vector_load %arg15[%swap3A_33] {strides = array<i32>} : memref<128xf32, #tpu.memory_space<vmem>>, vector<16xf32>,
    %swap3A_35 = vector.shape_cast %swap3A_34 : vector<16xf32> to vector<16xf32>
    %swap3A_36 = vector.shape_cast %broadcast_in_dim3A_32 : vector<16xf32> to vector<16xf32>
    tpu.vector_store %arg15[%swap3A_33], %swap3A_36 {strides = array<i32>} : memref<128xf32, #tpu.memory_space<vmem>>, vector<16xf32>,
    %broadcast_in_dim3A_37 = arith.constant 1.000000e+00 : f32
    %broadcast_in_dim3A_38 = vector.broadcast %broadcast_in_dim3A_37 : f32 to vector<16xf32>
    %swap3A_39 = arith.constant 96 : index
    %swap3A_40 = tpu.vector_load %arg15[%swap3A_39] {strides = array<i32>} : memref<128xf32, #tpu.memory_space<vmem>>, vector<16xf32>,
    %swap3A_41 = vector.shape_cast %swap3A_40 : vector<16xf32> to vector<16xf32>
    %swap3A_42 = vector.shape_cast %broadcast_in_dim3A_38 : vector<16xf32> to vector<16xf32>
    tpu.vector_store %arg15[%swap3A_39], %swap3A_42 {strides = array<i32>} : memref<128xf32, #tpu.memory_space<vmem>>, vector<16xf32>,
    %broadcast_in_dim3A_43 = arith.constant 1.000000e+00 : f32
    %broadcast_in_dim3A_44 = vector.broadcast %broadcast_in_dim3A_43 : f32 to vector<16xf32>
    %swap3A_45 = arith.constant 112 : index
    %swap3A_46 = tpu.vector_load %arg15[%swap3A_45] {strides = array<i32>} : memref<128xf32, #tpu.memory_space<vmem>>, vector<16xf32>,
    %swap3A_47 = vector.shape_cast %swap3A_46 : vector<16xf32> to vector<16xf32>
    %swap3A_48 = vector.shape_cast %broadcast_in_dim3A_44 : vector<16xf32> to vector<16xf32>
    tpu.vector_store %arg15[%swap3A_45], %swap3A_48 {strides = array<i32>} : memref<128xf32, #tpu.memory_space<vmem>>, vector<16xf32>,
    %mul3A_49 = arith.constant 1250 : i32
    %mul3A_50 = arith.muli %arg0, %mul3A_49 : i32
    %mul3A_51 = arith.constant 78 : i32
    %mul3A_52 = arith.muli %arg1, %mul3A_51 : i32
    %add3A = arith.addi %mul3A_50, %mul3A_52 : i32
    %min3A = arith.constant 2 : i32
    %min3A_53 = arith.minsi %arg1, %min3A : i32
    %add3A_54 = arith.addi %add3A, %min3A_53 : i32
    %add3A_55 = arith.constant 2500 : i32
    %add3A_56 = arith.addi %add3A_55, %add3A_54 : i32
    "tpu.region"() ({
      %run_scoped3A_96 = tpu.sem_alloc : memref<!tpu.dma_semaphore, #tpu.memory_space<semaphore_mem>>
      %dma_start3A_97 = arith.constant 0 : i32
      %dma_start3A_98 = arith.constant 0 : i32
      %dma_start3A_99 = tpu.memref_slice %arg14[%dma_start3A_97, %dma_start3A_98] : memref<79x128xi32, #tpu.memory_space<vmem>> -> memref<78x128xi32, #tpu.memory_space<vmem>>
      %dma_start3A_100 = arith.constant 0 : i32
      %dma_start3A_101 = tpu.memref_slice %arg3[%add3A_56, %dma_start3A_100] : memref<5000x128xi32, #tpu.memory_space<hbm>> -> memref<78x128xi32, #tpu.memory_space<hbm>>
      %dma_start3A_102 = arith.constant 0 : i32
      %dma_start3A_103 = arith.constant 0 : i32
      %dma_start3A_104 = tpu.memref_slice %arg14[%dma_start3A_102, %dma_start3A_103] : memref<79x128xi32, #tpu.memory_space<vmem>> -> memref<78x128xi32, #tpu.memory_space<vmem>>
      %dma_start3A_105 = arith.constant 0 : i32
      %dma_start3A_106 = tpu.memref_slice %arg3[%add3A_56, %dma_start3A_105] : memref<5000x128xi32, #tpu.memory_space<hbm>> -> memref<78x128xi32, #tpu.memory_space<hbm>>
      tpu.enqueue_dma source(%dma_start3A_106 : memref<78x128xi32, #tpu.memory_space<hbm>>) target(%dma_start3A_104 : memref<78x128xi32, #tpu.memory_space<vmem>>) target_semaphore(%run_scoped3A_96 : memref<!tpu.dma_semaphore, #tpu.memory_space<semaphore_mem>>)
      %dma_wait3A = arith.constant 0 : i32
      %dma_wait3A_107 = arith.constant 0 : i32
      %dma_wait3A_108 = tpu.memref_slice %arg14[%dma_wait3A, %dma_wait3A_107] : memref<79x128xi32, #tpu.memory_space<vmem>> -> memref<78x128xi32, #tpu.memory_space<vmem>>
      %dma_wait3A_109 = arith.constant 0 : i32
      %dma_wait3A_110 = tpu.memref_slice %arg3[%add3A_56, %dma_wait3A_109] : memref<5000x128xi32, #tpu.memory_space<hbm>> -> memref<78x128xi32, #tpu.memory_space<hbm>>
      %dma_wait3A_111 = arith.constant 0 : i32
      %dma_wait3A_112 = arith.constant 0 : i32
      %dma_wait3A_113 = tpu.memref_slice %arg14[%dma_wait3A_111, %dma_wait3A_112] : memref<79x128xi32, #tpu.memory_space<vmem>> -> memref<78x128xi32, #tpu.memory_space<vmem>>
      %dma_wait3A_114 = arith.constant 0 : i32
      %dma_wait3A_115 = tpu.memref_slice %arg3[%add3A_56, %dma_wait3A_114] : memref<5000x128xi32, #tpu.memory_space<hbm>> -> memref<78x128xi32, #tpu.memory_space<hbm>>
      tpu.wait_dma2 semaphore(%run_scoped3A_96 : memref<!tpu.dma_semaphore, #tpu.memory_space<semaphore_mem>>) src(%dma_wait3A_115 : memref<78x128xi32, #tpu.memory_space<hbm>>) dst(%dma_wait3A_113 : memref<78x128xi32, #tpu.memory_space<vmem>>)
      tpu.yield
    }) : () -> ()
    %lt3A = arith.constant 2 : i32
    %lt3A_57 = arith.cmpi slt, %arg1, %lt3A : i32
    %convert_element_type3A = arith.extui %lt3A_57 : i1 to i32
    %cond3A = arith.constant 0 : i32
    %cond3A_58 = arith.cmpi ne, %convert_element_type3A, %cond3A : i32
    scf.if %cond3A_58 {
      %add3A_96 = arith.constant 2500 : i32
      %add3A_97 = arith.addi %add3A_96, %add3A_54 : i32
      %add3A_98 = arith.constant 78 : i32
      %add3A_99 = arith.addi %add3A_97, %add3A_98 : i32
      %run_scoped3A_100 = arith.constant 78 : i32
      "tpu.region"() ({
        %run_scoped3A_101 = tpu.sem_alloc : memref<!tpu.dma_semaphore, #tpu.memory_space<semaphore_mem>>
        %dma_start3A_102 = arith.constant 0 : i32
        %dma_start3A_103 = tpu.memref_slice %arg14[%run_scoped3A_100, %dma_start3A_102] : memref<79x128xi32, #tpu.memory_space<vmem>> -> memref<1x128xi32, #tpu.memory_space<vmem>>
        %dma_start3A_104 = tpu.memref_squeeze %dma_start3A_103 : memref<1x128xi32, #tpu.memory_space<vmem>> -> memref<128xi32, #tpu.memory_space<vmem>>
        %dma_start3A_105 = arith.constant 0 : i32
        %dma_start3A_106 = tpu.memref_slice %arg3[%add3A_99, %dma_start3A_105] : memref<5000x128xi32, #tpu.memory_space<hbm>> -> memref<1x128xi32, #tpu.memory_space<hbm>>
        %dma_start3A_107 = tpu.memref_squeeze %dma_start3A_106 : memref<1x128xi32, #tpu.memory_space<hbm>> -> memref<128xi32, #tpu.memory_space<hbm>>
        %dma_start3A_108 = arith.constant 0 : i32
        %dma_start3A_109 = tpu.memref_slice %arg14[%run_scoped3A_100, %dma_start3A_108] : memref<79x128xi32, #tpu.memory_space<vmem>> -> memref<1x128xi32, #tpu.memory_space<vmem>>
        %dma_start3A_110 = tpu.memref_squeeze %dma_start3A_109 : memref<1x128xi32, #tpu.memory_space<vmem>> -> memref<128xi32, #tpu.memory_space<vmem>>
        %dma_start3A_111 = arith.constant 0 : i32
        %dma_start3A_112 = tpu.memref_slice %arg3[%add3A_99, %dma_start3A_111] : memref<5000x128xi32, #tpu.memory_space<hbm>> -> memref<1x128xi32, #tpu.memory_space<hbm>>
        %dma_start3A_113 = tpu.memref_squeeze %dma_start3A_112 : memref<1x128xi32, #tpu.memory_space<hbm>> -> memref<128xi32, #tpu.memory_space<hbm>>
        tpu.enqueue_dma source(%dma_start3A_113 : memref<128xi32, #tpu.memory_space<hbm>>) target(%dma_start3A_110 : memref<128xi32, #tpu.memory_space<vmem>>) target_semaphore(%run_scoped3A_101 : memref<!tpu.dma_semaphore, #tpu.memory_space<semaphore_mem>>)
        %dma_wait3A = arith.constant 0 : i32
        %dma_wait3A_114 = tpu.memref_slice %arg14[%run_scoped3A_100, %dma_wait3A] : memref<79x128xi32, #tpu.memory_space<vmem>> -> memref<1x128xi32, #tpu.memory_space<vmem>>
        %dma_wait3A_115 = tpu.memref_squeeze %dma_wait3A_114 : memref<1x128xi32, #tpu.memory_space<vmem>> -> memref<128xi32, #tpu.memory_space<vmem>>
        %dma_wait3A_116 = arith.constant 0 : i32
        %dma_wait3A_117 = tpu.memref_slice %arg3[%add3A_99, %dma_wait3A_116] : memref<5000x128xi32, #tpu.memory_space<hbm>> -> memref<1x128xi32, #tpu.memory_space<hbm>>
        %dma_wait3A_118 = tpu.memref_squeeze %dma_wait3A_117 : memref<1x128xi32, #tpu.memory_space<hbm>> -> memref<128xi32, #tpu.memory_space<hbm>>
        %dma_wait3A_119 = arith.constant 0 : i32
        %dma_wait3A_120 = tpu.memref_slice %arg14[%run_scoped3A_100, %dma_wait3A_119] : memref<79x128xi32, #tpu.memory_space<vmem>> -> memref<1x128xi32, #tpu.memory_space<vmem>>
        %dma_wait3A_121 = tpu.memref_squeeze %dma_wait3A_120 : memref<1x128xi32, #tpu.memory_space<vmem>> -> memref<128xi32, #tpu.memory_space<vmem>>
        %dma_wait3A_122 = arith.constant 0 : i32
        %dma_wait3A_123 = tpu.memref_slice %arg3[%add3A_99, %dma_wait3A_122] : memref<5000x128xi32, #tpu.memory_space<hbm>> -> memref<1x128xi32, #tpu.memory_space<hbm>>
        %dma_wait3A_124 = tpu.memref_squeeze %dma_wait3A_123 : memref<1x128xi32, #tpu.memory_space<hbm>> -> memref<128xi32, #tpu.memory_space<hbm>>
        tpu.wait_dma2 semaphore(%run_scoped3A_101 : memref<!tpu.dma_semaphore, #tpu.memory_space<semaphore_mem>>) src(%dma_wait3A_124 : memref<128xi32, #tpu.memory_space<hbm>>) dst(%dma_wait3A_121 : memref<128xi32, #tpu.memory_space<vmem>>)
        tpu.yield
      }) : () -> ()
    } else {
    }
    %barrier3A = arith.constant 0 : index
    tpu.barrier barrier_id(%barrier3A)
    %run_scoped3A = arith.constant 0 : i32
    "tpu.region"() ({
      %run_scoped3A_96 = tpu.sem_alloc : memref<!tpu.dma_semaphore, #tpu.memory_space<semaphore_mem>>
      %dma_start3A_97 = arith.constant 0 : i32
      %dma_start3A_98 = tpu.memref_slice %arg12[%run_scoped3A, %dma_start3A_97] : memref<1x128xi32, #tpu.memory_space<vmem>> -> memref<1x128xi32, #tpu.memory_space<vmem>>
      %dma_start3A_99 = tpu.memref_squeeze %dma_start3A_98 : memref<1x128xi32, #tpu.memory_space<vmem>> -> memref<128xi32, #tpu.memory_space<vmem>>
      %dma_start3A_100 = arith.constant 0 : i32
      %dma_start3A_101 = tpu.memref_slice %arg3[%add3A_54, %dma_start3A_100] : memref<5000x128xi32, #tpu.memory_space<hbm>> -> memref<1x128xi32, #tpu.memory_space<hbm>>
      %dma_start3A_102 = tpu.memref_squeeze %dma_start3A_101 : memref<1x128xi32, #tpu.memory_space<hbm>> -> memref<128xi32, #tpu.memory_space<hbm>>
      %dma_start3A_103 = arith.constant 0 : i32
      %dma_start3A_104 = tpu.memref_slice %arg12[%run_scoped3A, %dma_start3A_103] : memref<1x128xi32, #tpu.memory_space<vmem>> -> memref<1x128xi32, #tpu.memory_space<vmem>>
      %dma_start3A_105 = tpu.memref_squeeze %dma_start3A_104 : memref<1x128xi32, #tpu.memory_space<vmem>> -> memref<128xi32, #tpu.memory_space<vmem>>
      %dma_start3A_106 = arith.constant 0 : i32
      %dma_start3A_107 = tpu.memref_slice %arg3[%add3A_54, %dma_start3A_106] : memref<5000x128xi32, #tpu.memory_space<hbm>> -> memref<1x128xi32, #tpu.memory_space<hbm>>
      %dma_start3A_108 = tpu.memref_squeeze %dma_start3A_107 : memref<1x128xi32, #tpu.memory_space<hbm>> -> memref<128xi32, #tpu.memory_space<hbm>>
      tpu.enqueue_dma source(%dma_start3A_108 : memref<128xi32, #tpu.memory_space<hbm>>) target(%dma_start3A_105 : memref<128xi32, #tpu.memory_space<vmem>>) target_semaphore(%run_scoped3A_96 : memref<!tpu.dma_semaphore, #tpu.memory_space<semaphore_mem>>)
      %dma_wait3A = arith.constant 0 : i32
      %dma_wait3A_109 = tpu.memref_slice %arg12[%run_scoped3A, %dma_wait3A] : memref<1x128xi32, #tpu.memory_space<vmem>> -> memref<1x128xi32, #tpu.memory_space<vmem>>
      %dma_wait3A_110 = tpu.memref_squeeze %dma_wait3A_109 : memref<1x128xi32, #tpu.memory_space<vmem>> -> memref<128xi32, #tpu.memory_space<vmem>>
      %dma_wait3A_111 = arith.constant 0 : i32
      %dma_wait3A_112 = tpu.memref_slice %arg3[%add3A_54, %dma_wait3A_111] : memref<5000x128xi32, #tpu.memory_space<hbm>> -> memref<1x128xi32, #tpu.memory_space<hbm>>
      %dma_wait3A_113 = tpu.memref_squeeze %dma_wait3A_112 : memref<1x128xi32, #tpu.memory_space<hbm>> -> memref<128xi32, #tpu.memory_space<hbm>>
      %dma_wait3A_114 = arith.constant 0 : i32
      %dma_wait3A_115 = tpu.memref_slice %arg12[%run_scoped3A, %dma_wait3A_114] : memref<1x128xi32, #tpu.memory_space<vmem>> -> memref<1x128xi32, #tpu.memory_space<vmem>>
      %dma_wait3A_116 = tpu.memref_squeeze %dma_wait3A_115 : memref<1x128xi32, #tpu.memory_space<vmem>> -> memref<128xi32, #tpu.memory_space<vmem>>
      %dma_wait3A_117 = arith.constant 0 : i32
      %dma_wait3A_118 = tpu.memref_slice %arg3[%add3A_54, %dma_wait3A_117] : memref<5000x128xi32, #tpu.memory_space<hbm>> -> memref<1x128xi32, #tpu.memory_space<hbm>>
      %dma_wait3A_119 = tpu.memref_squeeze %dma_wait3A_118 : memref<1x128xi32, #tpu.memory_space<hbm>> -> memref<128xi32, #tpu.memory_space<hbm>>
      tpu.wait_dma2 semaphore(%run_scoped3A_96 : memref<!tpu.dma_semaphore, #tpu.memory_space<semaphore_mem>>) src(%dma_wait3A_119 : memref<128xi32, #tpu.memory_space<hbm>>) dst(%dma_wait3A_116 : memref<128xi32, #tpu.memory_space<vmem>>)
      tpu.yield
    }) : () -> ()
    %dma_start3A = arith.constant 0 : i32
    %dma_start3A_59 = arith.constant 0 : i32
    %dma_start3A_60 = tpu.memref_slice %arg12[%dma_start3A, %dma_start3A_59] : memref<1x128xi32, #tpu.memory_space<vmem>> -> memref<1x128xi32, #tpu.memory_space<vmem>>
    %dma_start3A_61 = tpu.memref_squeeze %dma_start3A_60 : memref<1x128xi32, #tpu.memory_space<vmem>> -> memref<128xi32, #tpu.memory_space<vmem>>
    %dma_start3A_62 = arith.constant 0 : i32
    %dma_start3A_63 = arith.constant 0 : i32
    %dma_start3A_64 = tpu.memref_slice %arg2[%dma_start3A_62, %dma_start3A_63] : memref<10000x128xf32, #tpu.memory_space<hbm>> -> memref<10000x128xf32, #tpu.memory_space<hbm>>
    tpu.enqueue_indirect_dma source(%dma_start3A_64 : memref<10000x128xf32, #tpu.memory_space<hbm>>) target(%arg10 : memref<128x128xf32, #tpu.memory_space<vmem>>) offsets(%dma_start3A_61 : memref<128xi32, #tpu.memory_space<vmem>>) semaphore(%arg16 : memref<!tpu.dma_semaphore, #tpu.memory_space<semaphore_mem>>)
    %dma_start3A_65 = arith.constant 0 : i32
    %dma_start3A_66 = arith.constant 0 : i32
    %dma_start3A_67 = tpu.memref_slice %arg14[%dma_start3A_65, %dma_start3A_66] : memref<79x128xi32, #tpu.memory_space<vmem>> -> memref<1x128xi32, #tpu.memory_space<vmem>>
    %dma_start3A_68 = tpu.memref_squeeze %dma_start3A_67 : memref<1x128xi32, #tpu.memory_space<vmem>> -> memref<128xi32, #tpu.memory_space<vmem>>
    %dma_start3A_69 = arith.constant 0 : i32
    %dma_start3A_70 = tpu.memref_slice %arg9[%dma_start3A_69] : memref<10240xf32, #tpu.memory_space<vmem_shared>> -> memref<10240xf32, #tpu.memory_space<vmem_shared>>
    tpu.enqueue_indirect_dma source(%arg15 : memref<128xf32, #tpu.memory_space<vmem>>) target(%dma_start3A_70 : memref<10240xf32, #tpu.memory_space<vmem_shared>>) offsets(%dma_start3A_68 : memref<128xi32, #tpu.memory_space<vmem>>) semaphore(%arg18 : memref<!tpu.dma_semaphore, #tpu.memory_space<semaphore_mem>>) {add = true}
    %scan3A = arith.constant 0 : i32
    %scan3A_71 = arith.constant 0 : i32
    %scan3A_72 = arith.constant 39 : i32
    %scan3A_73 = arith.addi %scan3A_71, %scan3A_72 : i32
    %scan3A_74 = arith.constant 1 : i32
    scf.for %scan3A_96 = %scan3A_71 to %scan3A_73 step %scan3A_74  : i32 {
      %mul3A_97 = arith.constant 2 : i32
      %mul3A_98 = arith.muli %mul3A_97, %scan3A_96 : i32
      %add3A_99 = arith.addi %add3A_54, %mul3A_98 : i32
      %mul3A_100 = arith.constant 2 : i32
      %mul3A_101 = arith.muli %mul3A_100, %scan3A_96 : i32
      %add3A_102 = arith.constant 1 : i32
      %add3A_103 = arith.addi %add3A_99, %add3A_102 : i32
      %run_scoped3A_104 = arith.constant 0 : i32
      "tpu.region"() ({
        %run_scoped3A_139 = tpu.sem_alloc : memref<!tpu.dma_semaphore, #tpu.memory_space<semaphore_mem>>
        %dma_start3A_140 = arith.constant 0 : i32
        %dma_start3A_141 = tpu.memref_slice %arg13[%run_scoped3A_104, %dma_start3A_140] : memref<1x128xi32, #tpu.memory_space<vmem>> -> memref<1x128xi32, #tpu.memory_space<vmem>>
        %dma_start3A_142 = tpu.memref_squeeze %dma_start3A_141 : memref<1x128xi32, #tpu.memory_space<vmem>> -> memref<128xi32, #tpu.memory_space<vmem>>
        %dma_start3A_143 = arith.constant 0 : i32
        %dma_start3A_144 = tpu.memref_slice %arg3[%add3A_103, %dma_start3A_143] : memref<5000x128xi32, #tpu.memory_space<hbm>> -> memref<1x128xi32, #tpu.memory_space<hbm>>
        %dma_start3A_145 = tpu.memref_squeeze %dma_start3A_144 : memref<1x128xi32, #tpu.memory_space<hbm>> -> memref<128xi32, #tpu.memory_space<hbm>>
        %dma_start3A_146 = arith.constant 0 : i32
        %dma_start3A_147 = tpu.memref_slice %arg13[%run_scoped3A_104, %dma_start3A_146] : memref<1x128xi32, #tpu.memory_space<vmem>> -> memref<1x128xi32, #tpu.memory_space<vmem>>
        %dma_start3A_148 = tpu.memref_squeeze %dma_start3A_147 : memref<1x128xi32, #tpu.memory_space<vmem>> -> memref<128xi32, #tpu.memory_space<vmem>>
        %dma_start3A_149 = arith.constant 0 : i32
        %dma_start3A_150 = tpu.memref_slice %arg3[%add3A_103, %dma_start3A_149] : memref<5000x128xi32, #tpu.memory_space<hbm>> -> memref<1x128xi32, #tpu.memory_space<hbm>>
        %dma_start3A_151 = tpu.memref_squeeze %dma_start3A_150 : memref<1x128xi32, #tpu.memory_space<hbm>> -> memref<128xi32, #tpu.memory_space<hbm>>
        tpu.enqueue_dma source(%dma_start3A_151 : memref<128xi32, #tpu.memory_space<hbm>>) target(%dma_start3A_148 : memref<128xi32, #tpu.memory_space<vmem>>) target_semaphore(%run_scoped3A_139 : memref<!tpu.dma_semaphore, #tpu.memory_space<semaphore_mem>>)
        %dma_wait3A_152 = arith.constant 0 : i32
        %dma_wait3A_153 = tpu.memref_slice %arg13[%run_scoped3A_104, %dma_wait3A_152] : memref<1x128xi32, #tpu.memory_space<vmem>> -> memref<1x128xi32, #tpu.memory_space<vmem>>
        %dma_wait3A_154 = tpu.memref_squeeze %dma_wait3A_153 : memref<1x128xi32, #tpu.memory_space<vmem>> -> memref<128xi32, #tpu.memory_space<vmem>>
        %dma_wait3A_155 = arith.constant 0 : i32
        %dma_wait3A_156 = tpu.memref_slice %arg3[%add3A_103, %dma_wait3A_155] : memref<5000x128xi32, #tpu.memory_space<hbm>> -> memref<1x128xi32, #tpu.memory_space<hbm>>
        %dma_wait3A_157 = tpu.memref_squeeze %dma_wait3A_156 : memref<1x128xi32, #tpu.memory_space<hbm>> -> memref<128xi32, #tpu.memory_space<hbm>>
        %dma_wait3A_158 = arith.constant 0 : i32
        %dma_wait3A_159 = tpu.memref_slice %arg13[%run_scoped3A_104, %dma_wait3A_158] : memref<1x128xi32, #tpu.memory_space<vmem>> -> memref<1x128xi32, #tpu.memory_space<vmem>>
        %dma_wait3A_160 = tpu.memref_squeeze %dma_wait3A_159 : memref<1x128xi32, #tpu.memory_space<vmem>> -> memref<128xi32, #tpu.memory_space<vmem>>
        %dma_wait3A_161 = arith.constant 0 : i32
        %dma_wait3A_162 = tpu.memref_slice %arg3[%add3A_103, %dma_wait3A_161] : memref<5000x128xi32, #tpu.memory_space<hbm>> -> memref<1x128xi32, #tpu.memory_space<hbm>>
        %dma_wait3A_163 = tpu.memref_squeeze %dma_wait3A_162 : memref<1x128xi32, #tpu.memory_space<hbm>> -> memref<128xi32, #tpu.memory_space<hbm>>
        tpu.wait_dma2 semaphore(%run_scoped3A_139 : memref<!tpu.dma_semaphore, #tpu.memory_space<semaphore_mem>>) src(%dma_wait3A_163 : memref<128xi32, #tpu.memory_space<hbm>>) dst(%dma_wait3A_160 : memref<128xi32, #tpu.memory_space<vmem>>)
        tpu.yield
      }) : () -> ()
      %dma_start3A_105 = arith.constant 0 : i32
      %dma_start3A_106 = arith.constant 0 : i32
      %dma_start3A_107 = tpu.memref_slice %arg13[%dma_start3A_105, %dma_start3A_106] : memref<1x128xi32, #tpu.memory_space<vmem>> -> memref<1x128xi32, #tpu.memory_space<vmem>>
      %dma_start3A_108 = tpu.memref_squeeze %dma_start3A_107 : memref<1x128xi32, #tpu.memory_space<vmem>> -> memref<128xi32, #tpu.memory_space<vmem>>
      %dma_start3A_109 = arith.constant 0 : i32
      %dma_start3A_110 = arith.constant 0 : i32
      %dma_start3A_111 = tpu.memref_slice %arg2[%dma_start3A_109, %dma_start3A_110] : memref<10000x128xf32, #tpu.memory_space<hbm>> -> memref<10000x128xf32, #tpu.memory_space<hbm>>
      tpu.enqueue_indirect_dma source(%dma_start3A_111 : memref<10000x128xf32, #tpu.memory_space<hbm>>) target(%arg11 : memref<128x128xf32, #tpu.memory_space<vmem>>) offsets(%dma_start3A_108 : memref<128xi32, #tpu.memory_space<vmem>>) semaphore(%arg17 : memref<!tpu.dma_semaphore, #tpu.memory_space<semaphore_mem>>)
      %add3A_112 = arith.constant 1 : i32
      %add3A_113 = arith.addi %mul3A_101, %add3A_112 : i32
      %dma_start3A_114 = arith.constant 0 : i32
      %dma_start3A_115 = tpu.memref_slice %arg14[%add3A_113, %dma_start3A_114] : memref<79x128xi32, #tpu.memory_space<vmem>> -> memref<1x128xi32, #tpu.memory_space<vmem>>
      %dma_start3A_116 = tpu.memref_squeeze %dma_start3A_115 : memref<1x128xi32, #tpu.memory_space<vmem>> -> memref<128xi32, #tpu.memory_space<vmem>>
      %dma_start3A_117 = arith.constant 0 : i32
      %dma_start3A_118 = tpu.memref_slice %arg9[%dma_start3A_117] : memref<10240xf32, #tpu.memory_space<vmem_shared>> -> memref<10240xf32, #tpu.memory_space<vmem_shared>>
      tpu.enqueue_indirect_dma source(%arg15 : memref<128xf32, #tpu.memory_space<vmem>>) target(%dma_start3A_118 : memref<10240xf32, #tpu.memory_space<vmem_shared>>) offsets(%dma_start3A_116 : memref<128xi32, #tpu.memory_space<vmem>>) semaphore(%arg18 : memref<!tpu.dma_semaphore, #tpu.memory_space<semaphore_mem>>) {add = true}
      %dma_wait3A = arith.constant 0 : i32
      %dma_wait3A_119 = arith.constant 0 : i32
      %dma_wait3A_120 = tpu.memref_slice %arg12[%dma_wait3A, %dma_wait3A_119] : memref<1x128xi32, #tpu.memory_space<vmem>> -> memref<1x128xi32, #tpu.memory_space<vmem>>
      %dma_wait3A_121 = tpu.memref_squeeze %dma_wait3A_120 : memref<1x128xi32, #tpu.memory_space<vmem>> -> memref<128xi32, #tpu.memory_space<vmem>>
      %dma_wait3A_122 = arith.constant 0 : i32
      %dma_wait3A_123 = arith.constant 0 : i32
      %dma_wait3A_124 = tpu.memref_slice %arg2[%dma_wait3A_122, %dma_wait3A_123] : memref<10000x128xf32, #tpu.memory_space<hbm>> -> memref<10000x128xf32, #tpu.memory_space<hbm>>
      tpu.wait_indirect_dma semaphore(%arg16 : memref<!tpu.dma_semaphore, #tpu.memory_space<semaphore_mem>>) src(%dma_wait3A_124 : memref<10000x128xf32, #tpu.memory_space<hbm>>) dst(%arg10 : memref<128x128xf32, #tpu.memory_space<vmem>>)
      "tpu.region"() ({
        %run_scoped3A_139 = tpu.sem_alloc : memref<!tpu.dma_semaphore, #tpu.memory_space<semaphore_mem>>
        %dma_start3A_140 = arith.constant 0 : i32
        %dma_start3A_141 = tpu.memref_slice %arg14[%mul3A_101, %dma_start3A_140] : memref<79x128xi32, #tpu.memory_space<vmem>> -> memref<1x128xi32, #tpu.memory_space<vmem>>
        %dma_start3A_142 = tpu.memref_squeeze %dma_start3A_141 : memref<1x128xi32, #tpu.memory_space<vmem>> -> memref<128xi32, #tpu.memory_space<vmem>>
        %dma_start3A_143 = arith.constant 0 : i32
        %dma_start3A_144 = arith.constant 0 : i32
        %dma_start3A_145 = tpu.memref_slice %arg8[%dma_start3A_143, %dma_start3A_144] : memref<10000x128xf32, #tpu.memory_space<vmem_shared>> -> memref<10000x128xf32, #tpu.memory_space<vmem_shared>>
        tpu.enqueue_indirect_dma source(%arg10 : memref<128x128xf32, #tpu.memory_space<vmem>>) target(%dma_start3A_145 : memref<10000x128xf32, #tpu.memory_space<vmem_shared>>) offsets(%dma_start3A_142 : memref<128xi32, #tpu.memory_space<vmem>>) semaphore(%run_scoped3A_139 : memref<!tpu.dma_semaphore, #tpu.memory_space<semaphore_mem>>) {add = true}
        %dma_wait3A_146 = arith.constant 0 : i32
        %dma_wait3A_147 = tpu.memref_slice %arg14[%mul3A_101, %dma_wait3A_146] : memref<79x128xi32, #tpu.memory_space<vmem>> -> memref<1x128xi32, #tpu.memory_space<vmem>>
        %dma_wait3A_148 = tpu.memref_squeeze %dma_wait3A_147 : memref<1x128xi32, #tpu.memory_space<vmem>> -> memref<128xi32, #tpu.memory_space<vmem>>
        %dma_wait3A_149 = arith.constant 0 : i32
        %dma_wait3A_150 = arith.constant 0 : i32
        %dma_wait3A_151 = tpu.memref_slice %arg8[%dma_wait3A_149, %dma_wait3A_150] : memref<10000x128xf32, #tpu.memory_space<vmem_shared>> -> memref<10000x128xf32, #tpu.memory_space<vmem_shared>>
        tpu.wait_indirect_dma semaphore(%run_scoped3A_139 : memref<!tpu.dma_semaphore, #tpu.memory_space<semaphore_mem>>) src(%arg10 : memref<128x128xf32, #tpu.memory_space<vmem>>) dst(%dma_wait3A_151 : memref<10000x128xf32, #tpu.memory_space<vmem_shared>>)
        tpu.yield
      }) : () -> ()
      %lt3A_125 = arith.constant 38 : i32
      %lt3A_126 = arith.cmpi slt, %scan3A_96, %lt3A_125 : i32
      %convert_element_type3A_127 = arith.extui %lt3A_126 : i1 to i32
      %cond3A_128 = arith.constant 0 : i32
      %cond3A_129 = arith.cmpi ne, %convert_element_type3A_127, %cond3A_128 : i32
      scf.if %cond3A_129 {
        %add3A_139 = arith.constant 2 : i32
        %add3A_140 = arith.addi %add3A_99, %add3A_139 : i32
        %run_scoped3A_141 = arith.constant 0 : i32
        "tpu.region"() ({
          %run_scoped3A_156 = tpu.sem_alloc : memref<!tpu.dma_semaphore, #tpu.memory_space<semaphore_mem>>
          %dma_start3A_157 = arith.constant 0 : i32
          %dma_start3A_158 = tpu.memref_slice %arg12[%run_scoped3A_141, %dma_start3A_157] : memref<1x128xi32, #tpu.memory_space<vmem>> -> memref<1x128xi32, #tpu.memory_space<vmem>>
          %dma_start3A_159 = tpu.memref_squeeze %dma_start3A_158 : memref<1x128xi32, #tpu.memory_space<vmem>> -> memref<128xi32, #tpu.memory_space<vmem>>
          %dma_start3A_160 = arith.constant 0 : i32
          %dma_start3A_161 = tpu.memref_slice %arg3[%add3A_140, %dma_start3A_160] : memref<5000x128xi32, #tpu.memory_space<hbm>> -> memref<1x128xi32, #tpu.memory_space<hbm>>
          %dma_start3A_162 = tpu.memref_squeeze %dma_start3A_161 : memref<1x128xi32, #tpu.memory_space<hbm>> -> memref<128xi32, #tpu.memory_space<hbm>>
          %dma_start3A_163 = arith.constant 0 : i32
          %dma_start3A_164 = tpu.memref_slice %arg12[%run_scoped3A_141, %dma_start3A_163] : memref<1x128xi32, #tpu.memory_space<vmem>> -> memref<1x128xi32, #tpu.memory_space<vmem>>
          %dma_start3A_165 = tpu.memref_squeeze %dma_start3A_164 : memref<1x128xi32, #tpu.memory_space<vmem>> -> memref<128xi32, #tpu.memory_space<vmem>>
          %dma_start3A_166 = arith.constant 0 : i32
          %dma_start3A_167 = tpu.memref_slice %arg3[%add3A_140, %dma_start3A_166] : memref<5000x128xi32, #tpu.memory_space<hbm>> -> memref<1x128xi32, #tpu.memory_space<hbm>>
          %dma_start3A_168 = tpu.memref_squeeze %dma_start3A_167 : memref<1x128xi32, #tpu.memory_space<hbm>> -> memref<128xi32, #tpu.memory_space<hbm>>
          tpu.enqueue_dma source(%dma_start3A_168 : memref<128xi32, #tpu.memory_space<hbm>>) target(%dma_start3A_165 : memref<128xi32, #tpu.memory_space<vmem>>) target_semaphore(%run_scoped3A_156 : memref<!tpu.dma_semaphore, #tpu.memory_space<semaphore_mem>>)
          %dma_wait3A_169 = arith.constant 0 : i32
          %dma_wait3A_170 = tpu.memref_slice %arg12[%run_scoped3A_141, %dma_wait3A_169] : memref<1x128xi32, #tpu.memory_space<vmem>> -> memref<1x128xi32, #tpu.memory_space<vmem>>
          %dma_wait3A_171 = tpu.memref_squeeze %dma_wait3A_170 : memref<1x128xi32, #tpu.memory_space<vmem>> -> memref<128xi32, #tpu.memory_space<vmem>>
          %dma_wait3A_172 = arith.constant 0 : i32
          %dma_wait3A_173 = tpu.memref_slice %arg3[%add3A_140, %dma_wait3A_172] : memref<5000x128xi32, #tpu.memory_space<hbm>> -> memref<1x128xi32, #tpu.memory_space<hbm>>
          %dma_wait3A_174 = tpu.memref_squeeze %dma_wait3A_173 : memref<1x128xi32, #tpu.memory_space<hbm>> -> memref<128xi32, #tpu.memory_space<hbm>>
          %dma_wait3A_175 = arith.constant 0 : i32
          %dma_wait3A_176 = tpu.memref_slice %arg12[%run_scoped3A_141, %dma_wait3A_175] : memref<1x128xi32, #tpu.memory_space<vmem>> -> memref<1x128xi32, #tpu.memory_space<vmem>>
          %dma_wait3A_177 = tpu.memref_squeeze %dma_wait3A_176 : memref<1x128xi32, #tpu.memory_space<vmem>> -> memref<128xi32, #tpu.memory_space<vmem>>
          %dma_wait3A_178 = arith.constant 0 : i32
          %dma_wait3A_179 = tpu.memref_slice %arg3[%add3A_140, %dma_wait3A_178] : memref<5000x128xi32, #tpu.memory_space<hbm>> -> memref<1x128xi32, #tpu.memory_space<hbm>>
          %dma_wait3A_180 = tpu.memref_squeeze %dma_wait3A_179 : memref<1x128xi32, #tpu.memory_space<hbm>> -> memref<128xi32, #tpu.memory_space<hbm>>
          tpu.wait_dma2 semaphore(%run_scoped3A_156 : memref<!tpu.dma_semaphore, #tpu.memory_space<semaphore_mem>>) src(%dma_wait3A_180 : memref<128xi32, #tpu.memory_space<hbm>>) dst(%dma_wait3A_177 : memref<128xi32, #tpu.memory_space<vmem>>)
          tpu.yield
        }) : () -> ()
        %dma_start3A_142 = arith.constant 0 : i32
        %dma_start3A_143 = arith.constant 0 : i32
        %dma_start3A_144 = tpu.memref_slice %arg12[%dma_start3A_142, %dma_start3A_143] : memref<1x128xi32, #tpu.memory_space<vmem>> -> memref<1x128xi32, #tpu.memory_space<vmem>>
        %dma_start3A_145 = tpu.memref_squeeze %dma_start3A_144 : memref<1x128xi32, #tpu.memory_space<vmem>> -> memref<128xi32, #tpu.memory_space<vmem>>
        %dma_start3A_146 = arith.constant 0 : i32
        %dma_start3A_147 = arith.constant 0 : i32
        %dma_start3A_148 = tpu.memref_slice %arg2[%dma_start3A_146, %dma_start3A_147] : memref<10000x128xf32, #tpu.memory_space<hbm>> -> memref<10000x128xf32, #tpu.memory_space<hbm>>
        tpu.enqueue_indirect_dma source(%dma_start3A_148 : memref<10000x128xf32, #tpu.memory_space<hbm>>) target(%arg10 : memref<128x128xf32, #tpu.memory_space<vmem>>) offsets(%dma_start3A_145 : memref<128xi32, #tpu.memory_space<vmem>>) semaphore(%arg16 : memref<!tpu.dma_semaphore, #tpu.memory_space<semaphore_mem>>)
        %add3A_149 = arith.constant 2 : i32
        %add3A_150 = arith.addi %mul3A_101, %add3A_149 : i32
        %dma_start3A_151 = arith.constant 0 : i32
        %dma_start3A_152 = tpu.memref_slice %arg14[%add3A_150, %dma_start3A_151] : memref<79x128xi32, #tpu.memory_space<vmem>> -> memref<1x128xi32, #tpu.memory_space<vmem>>
        %dma_start3A_153 = tpu.memref_squeeze %dma_start3A_152 : memref<1x128xi32, #tpu.memory_space<vmem>> -> memref<128xi32, #tpu.memory_space<vmem>>
        %dma_start3A_154 = arith.constant 0 : i32
        %dma_start3A_155 = tpu.memref_slice %arg9[%dma_start3A_154] : memref<10240xf32, #tpu.memory_space<vmem_shared>> -> memref<10240xf32, #tpu.memory_space<vmem_shared>>
        tpu.enqueue_indirect_dma source(%arg15 : memref<128xf32, #tpu.memory_space<vmem>>) target(%dma_start3A_155 : memref<10240xf32, #tpu.memory_space<vmem_shared>>) offsets(%dma_start3A_153 : memref<128xi32, #tpu.memory_space<vmem>>) semaphore(%arg18 : memref<!tpu.dma_semaphore, #tpu.memory_space<semaphore_mem>>) {add = true}
      } else {
      }
      %dma_wait3A_130 = arith.constant 0 : i32
      %dma_wait3A_131 = arith.constant 0 : i32
      %dma_wait3A_132 = tpu.memref_slice %arg13[%dma_wait3A_130, %dma_wait3A_131] : memref<1x128xi32, #tpu.memory_space<vmem>> -> memref<1x128xi32, #tpu.memory_space<vmem>>
      %dma_wait3A_133 = tpu.memref_squeeze %dma_wait3A_132 : memref<1x128xi32, #tpu.memory_space<vmem>> -> memref<128xi32, #tpu.memory_space<vmem>>
      %dma_wait3A_134 = arith.constant 0 : i32
      %dma_wait3A_135 = arith.constant 0 : i32
      %dma_wait3A_136 = tpu.memref_slice %arg2[%dma_wait3A_134, %dma_wait3A_135] : memref<10000x128xf32, #tpu.memory_space<hbm>> -> memref<10000x128xf32, #tpu.memory_space<hbm>>
      tpu.wait_indirect_dma semaphore(%arg17 : memref<!tpu.dma_semaphore, #tpu.memory_space<semaphore_mem>>) src(%dma_wait3A_136 : memref<10000x128xf32, #tpu.memory_space<hbm>>) dst(%arg11 : memref<128x128xf32, #tpu.memory_space<vmem>>)
      %add3A_137 = arith.constant 1 : i32
      %add3A_138 = arith.addi %mul3A_101, %add3A_137 : i32
      "tpu.region"() ({
        %run_scoped3A_139 = tpu.sem_alloc : memref<!tpu.dma_semaphore, #tpu.memory_space<semaphore_mem>>
        %dma_start3A_140 = arith.constant 0 : i32
        %dma_start3A_141 = tpu.memref_slice %arg14[%add3A_138, %dma_start3A_140] : memref<79x128xi32, #tpu.memory_space<vmem>> -> memref<1x128xi32, #tpu.memory_space<vmem>>
        %dma_start3A_142 = tpu.memref_squeeze %dma_start3A_141 : memref<1x128xi32, #tpu.memory_space<vmem>> -> memref<128xi32, #tpu.memory_space<vmem>>
        %dma_start3A_143 = arith.constant 0 : i32
        %dma_start3A_144 = arith.constant 0 : i32
        %dma_start3A_145 = tpu.memref_slice %arg8[%dma_start3A_143, %dma_start3A_144] : memref<10000x128xf32, #tpu.memory_space<vmem_shared>> -> memref<10000x128xf32, #tpu.memory_space<vmem_shared>>
        tpu.enqueue_indirect_dma source(%arg11 : memref<128x128xf32, #tpu.memory_space<vmem>>) target(%dma_start3A_145 : memref<10000x128xf32, #tpu.memory_space<vmem_shared>>) offsets(%dma_start3A_142 : memref<128xi32, #tpu.memory_space<vmem>>) semaphore(%run_scoped3A_139 : memref<!tpu.dma_semaphore, #tpu.memory_space<semaphore_mem>>) {add = true}
        %dma_wait3A_146 = arith.constant 0 : i32
        %dma_wait3A_147 = tpu.memref_slice %arg14[%add3A_138, %dma_wait3A_146] : memref<79x128xi32, #tpu.memory_space<vmem>> -> memref<1x128xi32, #tpu.memory_space<vmem>>
        %dma_wait3A_148 = tpu.memref_squeeze %dma_wait3A_147 : memref<1x128xi32, #tpu.memory_space<vmem>> -> memref<128xi32, #tpu.memory_space<vmem>>
        %dma_wait3A_149 = arith.constant 0 : i32
        %dma_wait3A_150 = arith.constant 0 : i32
        %dma_wait3A_151 = tpu.memref_slice %arg8[%dma_wait3A_149, %dma_wait3A_150] : memref<10000x128xf32, #tpu.memory_space<vmem_shared>> -> memref<10000x128xf32, #tpu.memory_space<vmem_shared>>
        tpu.wait_indirect_dma semaphore(%run_scoped3A_139 : memref<!tpu.dma_semaphore, #tpu.memory_space<semaphore_mem>>) src(%arg11 : memref<128x128xf32, #tpu.memory_space<vmem>>) dst(%dma_wait3A_151 : memref<10000x128xf32, #tpu.memory_space<vmem_shared>>)
        tpu.yield
      }) : () -> ()
    }
    %scan3A_75 = arith.constant 39 : i32
    %lt3A_76 = arith.constant 2 : i32
    %lt3A_77 = arith.cmpi slt, %arg1, %lt3A_76 : i32
    %convert_element_type3A_78 = arith.extui %lt3A_77 : i1 to i32
    %cond3A_79 = arith.constant 0 : i32
    %cond3A_80 = arith.cmpi ne, %convert_element_type3A_78, %cond3A_79 : i32
    scf.if %cond3A_80 {
      %add3A_96 = arith.constant 78 : i32
      %add3A_97 = arith.addi %add3A_54, %add3A_96 : i32
      %run_scoped3A_98 = arith.constant 0 : i32
      "tpu.region"() ({
        %run_scoped3A_119 = tpu.sem_alloc : memref<!tpu.dma_semaphore, #tpu.memory_space<semaphore_mem>>
        %dma_start3A_120 = arith.constant 0 : i32
        %dma_start3A_121 = tpu.memref_slice %arg12[%run_scoped3A_98, %dma_start3A_120] : memref<1x128xi32, #tpu.memory_space<vmem>> -> memref<1x128xi32, #tpu.memory_space<vmem>>
        %dma_start3A_122 = tpu.memref_squeeze %dma_start3A_121 : memref<1x128xi32, #tpu.memory_space<vmem>> -> memref<128xi32, #tpu.memory_space<vmem>>
        %dma_start3A_123 = arith.constant 0 : i32
        %dma_start3A_124 = tpu.memref_slice %arg3[%add3A_97, %dma_start3A_123] : memref<5000x128xi32, #tpu.memory_space<hbm>> -> memref<1x128xi32, #tpu.memory_space<hbm>>
        %dma_start3A_125 = tpu.memref_squeeze %dma_start3A_124 : memref<1x128xi32, #tpu.memory_space<hbm>> -> memref<128xi32, #tpu.memory_space<hbm>>
        %dma_start3A_126 = arith.constant 0 : i32
        %dma_start3A_127 = tpu.memref_slice %arg12[%run_scoped3A_98, %dma_start3A_126] : memref<1x128xi32, #tpu.memory_space<vmem>> -> memref<1x128xi32, #tpu.memory_space<vmem>>
        %dma_start3A_128 = tpu.memref_squeeze %dma_start3A_127 : memref<1x128xi32, #tpu.memory_space<vmem>> -> memref<128xi32, #tpu.memory_space<vmem>>
        %dma_start3A_129 = arith.constant 0 : i32
        %dma_start3A_130 = tpu.memref_slice %arg3[%add3A_97, %dma_start3A_129] : memref<5000x128xi32, #tpu.memory_space<hbm>> -> memref<1x128xi32, #tpu.memory_space<hbm>>
        %dma_start3A_131 = tpu.memref_squeeze %dma_start3A_130 : memref<1x128xi32, #tpu.memory_space<hbm>> -> memref<128xi32, #tpu.memory_space<hbm>>
        tpu.enqueue_dma source(%dma_start3A_131 : memref<128xi32, #tpu.memory_space<hbm>>) target(%dma_start3A_128 : memref<128xi32, #tpu.memory_space<vmem>>) target_semaphore(%run_scoped3A_119 : memref<!tpu.dma_semaphore, #tpu.memory_space<semaphore_mem>>)
        %dma_wait3A_132 = arith.constant 0 : i32
        %dma_wait3A_133 = tpu.memref_slice %arg12[%run_scoped3A_98, %dma_wait3A_132] : memref<1x128xi32, #tpu.memory_space<vmem>> -> memref<1x128xi32, #tpu.memory_space<vmem>>
        %dma_wait3A_134 = tpu.memref_squeeze %dma_wait3A_133 : memref<1x128xi32, #tpu.memory_space<vmem>> -> memref<128xi32, #tpu.memory_space<vmem>>
        %dma_wait3A_135 = arith.constant 0 : i32
        %dma_wait3A_136 = tpu.memref_slice %arg3[%add3A_97, %dma_wait3A_135] : memref<5000x128xi32, #tpu.memory_space<hbm>> -> memref<1x128xi32, #tpu.memory_space<hbm>>
        %dma_wait3A_137 = tpu.memref_squeeze %dma_wait3A_136 : memref<1x128xi32, #tpu.memory_space<hbm>> -> memref<128xi32, #tpu.memory_space<hbm>>
        %dma_wait3A_138 = arith.constant 0 : i32
        %dma_wait3A_139 = tpu.memref_slice %arg12[%run_scoped3A_98, %dma_wait3A_138] : memref<1x128xi32, #tpu.memory_space<vmem>> -> memref<1x128xi32, #tpu.memory_space<vmem>>
        %dma_wait3A_140 = tpu.memref_squeeze %dma_wait3A_139 : memref<1x128xi32, #tpu.memory_space<vmem>> -> memref<128xi32, #tpu.memory_space<vmem>>
        %dma_wait3A_141 = arith.constant 0 : i32
        %dma_wait3A_142 = tpu.memref_slice %arg3[%add3A_97, %dma_wait3A_141] : memref<5000x128xi32, #tpu.memory_space<hbm>> -> memref<1x128xi32, #tpu.memory_space<hbm>>
        %dma_wait3A_143 = tpu.memref_squeeze %dma_wait3A_142 : memref<1x128xi32, #tpu.memory_space<hbm>> -> memref<128xi32, #tpu.memory_space<hbm>>
        tpu.wait_dma2 semaphore(%run_scoped3A_119 : memref<!tpu.dma_semaphore, #tpu.memory_space<semaphore_mem>>) src(%dma_wait3A_143 : memref<128xi32, #tpu.memory_space<hbm>>) dst(%dma_wait3A_140 : memref<128xi32, #tpu.memory_space<vmem>>)
        tpu.yield
      }) : () -> ()
      %dma_start3A_99 = arith.constant 0 : i32
      %dma_start3A_100 = arith.constant 0 : i32
      %dma_start3A_101 = tpu.memref_slice %arg12[%dma_start3A_99, %dma_start3A_100] : memref<1x128xi32, #tpu.memory_space<vmem>> -> memref<1x128xi32, #tpu.memory_space<vmem>>
      %dma_start3A_102 = tpu.memref_squeeze %dma_start3A_101 : memref<1x128xi32, #tpu.memory_space<vmem>> -> memref<128xi32, #tpu.memory_space<vmem>>
      %dma_start3A_103 = arith.constant 0 : i32
      %dma_start3A_104 = arith.constant 0 : i32
      %dma_start3A_105 = tpu.memref_slice %arg2[%dma_start3A_103, %dma_start3A_104] : memref<10000x128xf32, #tpu.memory_space<hbm>> -> memref<10000x128xf32, #tpu.memory_space<hbm>>
      tpu.enqueue_indirect_dma source(%dma_start3A_105 : memref<10000x128xf32, #tpu.memory_space<hbm>>) target(%arg10 : memref<128x128xf32, #tpu.memory_space<vmem>>) offsets(%dma_start3A_102 : memref<128xi32, #tpu.memory_space<vmem>>) semaphore(%arg16 : memref<!tpu.dma_semaphore, #tpu.memory_space<semaphore_mem>>)
      %dma_start3A_106 = arith.constant 78 : i32
      %dma_start3A_107 = arith.constant 0 : i32
      %dma_start3A_108 = tpu.memref_slice %arg14[%dma_start3A_106, %dma_start3A_107] : memref<79x128xi32, #tpu.memory_space<vmem>> -> memref<1x128xi32, #tpu.memory_space<vmem>>
      %dma_start3A_109 = tpu.memref_squeeze %dma_start3A_108 : memref<1x128xi32, #tpu.memory_space<vmem>> -> memref<128xi32, #tpu.memory_space<vmem>>
      %dma_start3A_110 = arith.constant 0 : i32
      %dma_start3A_111 = tpu.memref_slice %arg9[%dma_start3A_110] : memref<10240xf32, #tpu.memory_space<vmem_shared>> -> memref<10240xf32, #tpu.memory_space<vmem_shared>>
      tpu.enqueue_indirect_dma source(%arg15 : memref<128xf32, #tpu.memory_space<vmem>>) target(%dma_start3A_111 : memref<10240xf32, #tpu.memory_space<vmem_shared>>) offsets(%dma_start3A_109 : memref<128xi32, #tpu.memory_space<vmem>>) semaphore(%arg18 : memref<!tpu.dma_semaphore, #tpu.memory_space<semaphore_mem>>) {add = true}
      %dma_wait3A = arith.constant 0 : i32
      %dma_wait3A_112 = arith.constant 0 : i32
      %dma_wait3A_113 = tpu.memref_slice %arg12[%dma_wait3A, %dma_wait3A_112] : memref<1x128xi32, #tpu.memory_space<vmem>> -> memref<1x128xi32, #tpu.memory_space<vmem>>
      %dma_wait3A_114 = tpu.memref_squeeze %dma_wait3A_113 : memref<1x128xi32, #tpu.memory_space<vmem>> -> memref<128xi32, #tpu.memory_space<vmem>>
      %dma_wait3A_115 = arith.constant 0 : i32
      %dma_wait3A_116 = arith.constant 0 : i32
      %dma_wait3A_117 = tpu.memref_slice %arg2[%dma_wait3A_115, %dma_wait3A_116] : memref<10000x128xf32, #tpu.memory_space<hbm>> -> memref<10000x128xf32, #tpu.memory_space<hbm>>
      tpu.wait_indirect_dma semaphore(%arg16 : memref<!tpu.dma_semaphore, #tpu.memory_space<semaphore_mem>>) src(%dma_wait3A_117 : memref<10000x128xf32, #tpu.memory_space<hbm>>) dst(%arg10 : memref<128x128xf32, #tpu.memory_space<vmem>>)
      %run_scoped3A_118 = arith.constant 78 : i32
      "tpu.region"() ({
        %run_scoped3A_119 = tpu.sem_alloc : memref<!tpu.dma_semaphore, #tpu.memory_space<semaphore_mem>>
        %dma_start3A_120 = arith.constant 0 : i32
        %dma_start3A_121 = tpu.memref_slice %arg14[%run_scoped3A_118, %dma_start3A_120] : memref<79x128xi32, #tpu.memory_space<vmem>> -> memref<1x128xi32, #tpu.memory_space<vmem>>
        %dma_start3A_122 = tpu.memref_squeeze %dma_start3A_121 : memref<1x128xi32, #tpu.memory_space<vmem>> -> memref<128xi32, #tpu.memory_space<vmem>>
        %dma_start3A_123 = arith.constant 0 : i32
        %dma_start3A_124 = arith.constant 0 : i32
        %dma_start3A_125 = tpu.memref_slice %arg8[%dma_start3A_123, %dma_start3A_124] : memref<10000x128xf32, #tpu.memory_space<vmem_shared>> -> memref<10000x128xf32, #tpu.memory_space<vmem_shared>>
        tpu.enqueue_indirect_dma source(%arg10 : memref<128x128xf32, #tpu.memory_space<vmem>>) target(%dma_start3A_125 : memref<10000x128xf32, #tpu.memory_space<vmem_shared>>) offsets(%dma_start3A_122 : memref<128xi32, #tpu.memory_space<vmem>>) semaphore(%run_scoped3A_119 : memref<!tpu.dma_semaphore, #tpu.memory_space<semaphore_mem>>) {add = true}
        %dma_wait3A_126 = arith.constant 0 : i32
        %dma_wait3A_127 = tpu.memref_slice %arg14[%run_scoped3A_118, %dma_wait3A_126] : memref<79x128xi32, #tpu.memory_space<vmem>> -> memref<1x128xi32, #tpu.memory_space<vmem>>
        %dma_wait3A_128 = tpu.memref_squeeze %dma_wait3A_127 : memref<1x128xi32, #tpu.memory_space<vmem>> -> memref<128xi32, #tpu.memory_space<vmem>>
        %dma_wait3A_129 = arith.constant 0 : i32
        %dma_wait3A_130 = arith.constant 0 : i32
        %dma_wait3A_131 = tpu.memref_slice %arg8[%dma_wait3A_129, %dma_wait3A_130] : memref<10000x128xf32, #tpu.memory_space<vmem_shared>> -> memref<10000x128xf32, #tpu.memory_space<vmem_shared>>
        tpu.wait_indirect_dma semaphore(%run_scoped3A_119 : memref<!tpu.dma_semaphore, #tpu.memory_space<semaphore_mem>>) src(%arg10 : memref<128x128xf32, #tpu.memory_space<vmem>>) dst(%dma_wait3A_131 : memref<10000x128xf32, #tpu.memory_space<vmem_shared>>)
        tpu.yield
      }) : () -> ()
    } else {
    }
    %lt3A_81 = arith.constant 2 : i32
    %lt3A_82 = arith.cmpi slt, %arg1, %lt3A_81 : i32
    %jit3A = arith.constant 1 : i32
    %jit3A_83 = arith.constant 0 : i32
    %select_n3A = arith.select %lt3A_82, %jit3A, %jit3A_83 : i32
    %add3A_84 = arith.constant 78 : i32
    %add3A_85 = arith.addi %add3A_84, %select_n3A : i32
    %while3A = arith.constant 0 : i32
    %while3A_86 = arith.constant 0 : i32
    %while3A_87 = arith.subi %add3A_85, %while3A_86 : i32
    %while3A_88 = arith.addi %while3A_86, %while3A_87 : i32
    %while3A_89 = arith.constant 1 : i32
    %while3A_90 = arith.divsi %while3A_87, %while3A_89 : i32
    %while3A_91 = arith.muli %while3A_90, %while3A_89 : i32
    %while3A_92 = arith.addi %while3A_86, %while3A_91 : i32
    %while3A_93 = arith.constant 1 : i32
    scf.for %while3A_96 = %while3A_86 to %while3A_92 step %while3A_93  : i32 {
      %dma_wait3A = arith.constant 0 : i32
      %dma_wait3A_97 = arith.constant 0 : i32
      %dma_wait3A_98 = tpu.memref_slice %arg14[%dma_wait3A, %dma_wait3A_97] : memref<79x128xi32, #tpu.memory_space<vmem>> -> memref<1x128xi32, #tpu.memory_space<vmem>>
      %dma_wait3A_99 = tpu.memref_squeeze %dma_wait3A_98 : memref<1x128xi32, #tpu.memory_space<vmem>> -> memref<128xi32, #tpu.memory_space<vmem>>
      %dma_wait3A_100 = arith.constant 0 : i32
      %dma_wait3A_101 = tpu.memref_slice %arg9[%dma_wait3A_100] : memref<10240xf32, #tpu.memory_space<vmem_shared>> -> memref<10240xf32, #tpu.memory_space<vmem_shared>>
      tpu.wait_indirect_dma semaphore(%arg18 : memref<!tpu.dma_semaphore, #tpu.memory_space<semaphore_mem>>) src(%arg15 : memref<128xf32, #tpu.memory_space<vmem>>) dst(%dma_wait3A_101 : memref<10240xf32, #tpu.memory_space<vmem_shared>>)
    }
    %while3A_94 = arith.constant 1 : i32
    scf.for %while3A_96 = %while3A_92 to %while3A_88 step %while3A_94  : i32 {
      %dma_wait3A = arith.constant 0 : i32
      %dma_wait3A_97 = arith.constant 0 : i32
      %dma_wait3A_98 = tpu.memref_slice %arg14[%dma_wait3A, %dma_wait3A_97] : memref<79x128xi32, #tpu.memory_space<vmem>> -> memref<1x128xi32, #tpu.memory_space<vmem>>
      %dma_wait3A_99 = tpu.memref_squeeze %dma_wait3A_98 : memref<1x128xi32, #tpu.memory_space<vmem>> -> memref<128xi32, #tpu.memory_space<vmem>>
      %dma_wait3A_100 = arith.constant 0 : i32
      %dma_wait3A_101 = tpu.memref_slice %arg9[%dma_wait3A_100] : memref<10240xf32, #tpu.memory_space<vmem_shared>> -> memref<10240xf32, #tpu.memory_space<vmem_shared>>
      tpu.wait_indirect_dma semaphore(%arg18 : memref<!tpu.dma_semaphore, #tpu.memory_space<semaphore_mem>>) src(%arg15 : memref<128xf32, #tpu.memory_space<vmem>>) dst(%dma_wait3A_101 : memref<10240xf32, #tpu.memory_space<vmem_shared>>)
    }
    %barrier3A_95 = arith.constant 0 : index
    tpu.barrier barrier_id(%barrier3A_95)
    "tpu.region"() ({
      %run_scoped3A_96 = tpu.sem_alloc : memref<!tpu.dma_semaphore, #tpu.memory_space<semaphore_mem>>
      %dma_start3A_97 = arith.constant 0 : i32
      %dma_start3A_98 = tpu.memref_slice %arg6[%arg0, %mul3A_0, %dma_start3A_97] : memref<2x10000x128xf32, #tpu.memory_space<hbm>> -> memref<1x625x128xf32, #tpu.memory_space<hbm>>
      %dma_start3A_99 = tpu.memref_squeeze %dma_start3A_98 : memref<1x625x128xf32, #tpu.memory_space<hbm>> -> memref<625x128xf32, #tpu.memory_space<hbm>>
      %dma_start3A_100 = arith.constant 0 : i32
      %dma_start3A_101 = tpu.memref_slice %arg8[%mul3A_0, %dma_start3A_100] : memref<10000x128xf32, #tpu.memory_space<vmem_shared>> -> memref<625x128xf32, #tpu.memory_space<vmem_shared>>
      tpu.enqueue_dma source(%dma_start3A_101 : memref<625x128xf32, #tpu.memory_space<vmem_shared>>) target(%dma_start3A_99 : memref<625x128xf32, #tpu.memory_space<hbm>>) target_semaphore(%run_scoped3A_96 : memref<!tpu.dma_semaphore, #tpu.memory_space<semaphore_mem>>)
      %dma_wait3A = arith.constant 0 : i32
      %dma_wait3A_102 = tpu.memref_slice %arg6[%arg0, %mul3A_0, %dma_wait3A] : memref<2x10000x128xf32, #tpu.memory_space<hbm>> -> memref<1x625x128xf32, #tpu.memory_space<hbm>>
      %dma_wait3A_103 = tpu.memref_squeeze %dma_wait3A_102 : memref<1x625x128xf32, #tpu.memory_space<hbm>> -> memref<625x128xf32, #tpu.memory_space<hbm>>
      %dma_wait3A_104 = arith.constant 0 : i32
      %dma_wait3A_105 = tpu.memref_slice %arg8[%mul3A_0, %dma_wait3A_104] : memref<10000x128xf32, #tpu.memory_space<vmem_shared>> -> memref<625x128xf32, #tpu.memory_space<vmem_shared>>
      tpu.wait_dma2 semaphore(%run_scoped3A_96 : memref<!tpu.dma_semaphore, #tpu.memory_space<semaphore_mem>>) src(%dma_wait3A_105 : memref<625x128xf32, #tpu.memory_space<vmem_shared>>) dst(%dma_wait3A_103 : memref<625x128xf32, #tpu.memory_space<hbm>>)
      tpu.yield
    }) : () -> ()
    "tpu.region"() ({
      %run_scoped3A_96 = tpu.sem_alloc : memref<!tpu.dma_semaphore, #tpu.memory_space<semaphore_mem>>
      %dma_start3A_97 = tpu.memref_slice %arg7[%arg0, %mul3A_2] : memref<2x10240xf32, #tpu.memory_space<hbm>> -> memref<1x640xf32, #tpu.memory_space<hbm>>
      %dma_start3A_98 = tpu.memref_squeeze %dma_start3A_97 : memref<1x640xf32, #tpu.memory_space<hbm>> -> memref<640xf32, #tpu.memory_space<hbm>>
      %dma_start3A_99 = tpu.memref_slice %arg9[%mul3A_2] : memref<10240xf32, #tpu.memory_space<vmem_shared>> -> memref<640xf32, #tpu.memory_space<vmem_shared>>
      tpu.enqueue_dma source(%dma_start3A_99 : memref<640xf32, #tpu.memory_space<vmem_shared>>) target(%dma_start3A_98 : memref<640xf32, #tpu.memory_space<hbm>>) target_semaphore(%run_scoped3A_96 : memref<!tpu.dma_semaphore, #tpu.memory_space<semaphore_mem>>)
      %dma_wait3A = tpu.memref_slice %arg7[%arg0, %mul3A_2] : memref<2x10240xf32, #tpu.memory_space<hbm>> -> memref<1x640xf32, #tpu.memory_space<hbm>>
      %dma_wait3A_100 = tpu.memref_squeeze %dma_wait3A : memref<1x640xf32, #tpu.memory_space<hbm>> -> memref<640xf32, #tpu.memory_space<hbm>>
      %dma_wait3A_101 = tpu.memref_slice %arg9[%mul3A_2] : memref<10240xf32, #tpu.memory_space<vmem_shared>> -> memref<640xf32, #tpu.memory_space<vmem_shared>>
      tpu.wait_dma2 semaphore(%run_scoped3A_96 : memref<!tpu.dma_semaphore, #tpu.memory_space<semaphore_mem>>) src(%dma_wait3A_101 : memref<640xf32, #tpu.memory_space<vmem_shared>>) dst(%dma_wait3A_100 : memref<640xf32, #tpu.memory_space<hbm>>)
      tpu.yield
    }) : () -> ()
    return
  }
}

module attributes {stable_mosaic.version = 14 : i64} {
  func.func @body(%arg0: i32, %arg1: memref<2048x128xf32, #tpu.memory_space<vmem>>, %arg2: memref<2x2048x128xf32, #tpu.memory_space<vmem>>, %arg3: memref<2x2048xf32, #tpu.memory_space<vmem>>, %arg4: memref<1x128xf32, #tpu.memory_space<vmem>>, %arg5: memref<128x128xf32, #tpu.memory_space<vmem>>, %arg6: memref<1x128xf32, #tpu.memory_space<vmem>>, %arg7: memref<128x128xf32, #tpu.memory_space<vmem>>, %arg8: memref<1x128xf32, #tpu.memory_space<vmem>>, %arg9: memref<128x128xf32, #tpu.memory_space<vmem>>, %arg10: memref<1x128xf32, #tpu.memory_space<vmem>>, %arg11: memref<128x128xf32, #tpu.memory_space<vmem>>, %arg12: memref<1x128xf32, #tpu.memory_space<vmem>>, %arg13: memref<2048x128xf32, #tpu.memory_space<vmem>>, %arg14: memref<1x128xf32, #tpu.memory_space<vmem>>) attributes {dimension_semantics = [#tpu.dimension_semantics<arbitrary>], iteration_bounds = array<i64: 5>, scalar_prefetch = 0 : i64, scratch_operands = 0 : i64, tpu.core_type = #tpu.core_type<tc>, window_params = [{transform_indices = @transform_0, window_bounds = array<i64: 2048, 128>}, {transform_indices = @transform_1, window_bounds = array<i64: 2, 2048, 128>}, {transform_indices = @transform_2, window_bounds = array<i64: 2, 2048>}, {pipeline_mode = #tpu.pipeline_mode<synchronous>, transform_indices = @transform_3, window_bounds = array<i64: 1, 128>}, {pipeline_mode = #tpu.pipeline_mode<synchronous>, transform_indices = @transform_4, window_bounds = array<i64: 128, 128>}, {pipeline_mode = #tpu.pipeline_mode<synchronous>, transform_indices = @transform_5, window_bounds = array<i64: 1, 128>}, {pipeline_mode = #tpu.pipeline_mode<synchronous>, transform_indices = @transform_6, window_bounds = array<i64: 128, 128>}, {pipeline_mode = #tpu.pipeline_mode<synchronous>, transform_indices = @transform_7, window_bounds = array<i64: 1, 128>}, {pipeline_mode = #tpu.pipeline_mode<synchronous>, transform_indices = @transform_8, window_bounds = array<i64: 128, 128>}, {pipeline_mode = #tpu.pipeline_mode<synchronous>, transform_indices = @transform_9, window_bounds = array<i64: 1, 128>}, {pipeline_mode = #tpu.pipeline_mode<synchronous>, transform_indices = @transform_10, window_bounds = array<i64: 128, 128>}, {pipeline_mode = #tpu.pipeline_mode<synchronous>, transform_indices = @transform_11, window_bounds = array<i64: 1, 128>}, {transform_indices = @transform_12, window_bounds = array<i64: 2048, 128>}, {pipeline_mode = #tpu.pipeline_mode<synchronous>, transform_indices = @transform_13, window_bounds = array<i64: 1, 128>}]} {
    %get3A = arith.constant 0 : index
    %get3A_0 = arith.constant 0 : index
    %get3A_1 = vector.load %arg1[%get3A, %get3A_0] : memref<2048x128xf32, #tpu.memory_space<vmem>>, vector<2048x128xf32>
    %reshape3A = vector.shape_cast %get3A_1 : vector<2048x128xf32> to vector<16x128x128xf32>
    %get3A_2 = arith.constant 0 : index
    %get3A_3 = arith.constant 0 : index
    %get3A_4 = vector.load %arg3[%get3A_2, %get3A_3] : memref<2x2048xf32, #tpu.memory_space<vmem>>, vector<2x2048xf32>
    %reshape3A_5 = vector.shape_cast %get3A_4 : vector<2x2048xf32> to vector<2x16x128xf32>
    %slice3A = vector.extract_strided_slice %reshape3A_5 {offsets = [0, 0, 0], sizes = [1, 16, 128], strides = [1, 1, 1]} : vector<2x16x128xf32> to vector<1x16x128xf32>
    %squeeze3A = vector.shape_cast %slice3A : vector<1x16x128xf32> to vector<16x128xf32>
    %broadcast_in_dim3A = vector.shape_cast %squeeze3A : vector<16x128xf32> to vector<16x128x1xf32>
    %slice3A_6 = vector.extract_strided_slice %reshape3A_5 {offsets = [1, 0, 0], sizes = [1, 16, 128], strides = [1, 1, 1]} : vector<2x16x128xf32> to vector<1x16x128xf32>
    %squeeze3A_7 = vector.shape_cast %slice3A_6 : vector<1x16x128xf32> to vector<16x128xf32>
    %broadcast_in_dim3A_8 = vector.shape_cast %squeeze3A_7 : vector<16x128xf32> to vector<16x128x1xf32>
    %get3A_9 = arith.constant 0 : index
    %get3A_10 = arith.constant 0 : index
    %get3A_11 = vector.load %arg4[%get3A_9, %get3A_10] : memref<1x128xf32, #tpu.memory_space<vmem>>, vector<1x128xf32>
    %sub3A = vector.broadcast %get3A_11 : vector<1x128xf32> to vector<2048x128xf32>
    %sub3A_12 = arith.subf %get3A_1, %sub3A : vector<2048x128xf32>
    %get3A_13 = arith.constant 0 : index
    %get3A_14 = arith.constant 0 : index
    %get3A_15 = arith.constant 0 : index
    %get3A_16 = vector.load %arg2[%get3A_13, %get3A_14, %get3A_15] : memref<2x2048x128xf32, #tpu.memory_space<vmem>>, vector<1x2048x128xf32>
    %get3A_17 = vector.shape_cast %get3A_16 : vector<1x2048x128xf32> to vector<2048x128xf32>
    %reshape3A_18 = vector.shape_cast %get3A_17 : vector<2048x128xf32> to vector<16x128x128xf32>
    %mul3A = vector.broadcast %broadcast_in_dim3A : vector<16x128x1xf32> to vector<16x128x128xf32>
    %mul3A_19 = arith.mulf %mul3A, %reshape3A : vector<16x128x128xf32>
    %sub3A_20 = arith.subf %reshape3A_18, %mul3A_19 : vector<16x128x128xf32>
    %reshape3A_21 = vector.shape_cast %sub3A_20 : vector<16x128x128xf32> to vector<2048x128xf32>
    %get3A_22 = arith.constant 1 : index
    %get3A_23 = arith.constant 0 : index
    %get3A_24 = arith.constant 0 : index
    %get3A_25 = vector.load %arg2[%get3A_22, %get3A_23, %get3A_24] : memref<2x2048x128xf32, #tpu.memory_space<vmem>>, vector<1x2048x128xf32>
    %get3A_26 = vector.shape_cast %get3A_25 : vector<1x2048x128xf32> to vector<2048x128xf32>
    %reshape3A_27 = vector.shape_cast %get3A_26 : vector<2048x128xf32> to vector<16x128x128xf32>
    %mul3A_28 = vector.broadcast %broadcast_in_dim3A_8 : vector<16x128x1xf32> to vector<16x128x128xf32>
    %mul3A_29 = arith.mulf %mul3A_28, %reshape3A : vector<16x128x128xf32>
    %sub3A_30 = arith.subf %reshape3A_27, %mul3A_29 : vector<16x128x128xf32>
    %reshape3A_31 = vector.shape_cast %sub3A_30 : vector<16x128x128xf32> to vector<2048x128xf32>
    %get3A_32 = arith.constant 0 : index
    %get3A_33 = arith.constant 0 : index
    %get3A_34 = vector.load %arg9[%get3A_32, %get3A_33] : memref<128x128xf32, #tpu.memory_space<vmem>>, vector<128x128xf32>
    %dot_general3A = arith.constant dense<0.000000e+00> : vector<2048x128xf32>
    %dot_general3A_35 = tpu.matmul %sub3A_12, %get3A_34, %dot_general3A {dimension_numbers = #tpu.dot_dimension_numbers<[1], [0], [0], [1], [0, 0, 1, 1], [], []>, precision = #tpu.contract_precision<fp32>, transpose_lhs_hint = false} : vector<2048x128xf32>, vector<128x128xf32>, vector<2048x128xf32> -> vector<2048x128xf32>
    %get3A_36 = arith.constant 0 : index
    %get3A_37 = arith.constant 0 : index
    %get3A_38 = vector.load %arg5[%get3A_36, %get3A_37] : memref<128x128xf32, #tpu.memory_space<vmem>>, vector<128x128xf32>
    %dot_general3A_39 = arith.constant dense<0.000000e+00> : vector<2048x128xf32>
    %dot_general3A_40 = tpu.matmul %reshape3A_21, %get3A_38, %dot_general3A_39 {dimension_numbers = #tpu.dot_dimension_numbers<[1], [0], [0], [1], [0, 0, 1, 1], [], []>, precision = #tpu.contract_precision<fp32>, transpose_lhs_hint = false} : vector<2048x128xf32>, vector<128x128xf32>, vector<2048x128xf32> -> vector<2048x128xf32>
    %add3A = arith.addf %dot_general3A_35, %dot_general3A_40 : vector<2048x128xf32>
    %get3A_41 = arith.constant 0 : index
    %get3A_42 = arith.constant 0 : index
    %get3A_43 = vector.load %arg7[%get3A_41, %get3A_42] : memref<128x128xf32, #tpu.memory_space<vmem>>, vector<128x128xf32>
    %dot_general3A_44 = arith.constant dense<0.000000e+00> : vector<2048x128xf32>
    %dot_general3A_45 = tpu.matmul %reshape3A_31, %get3A_43, %dot_general3A_44 {dimension_numbers = #tpu.dot_dimension_numbers<[1], [0], [0], [1], [0, 0, 1, 1], [], []>, precision = #tpu.contract_precision<fp32>, transpose_lhs_hint = false} : vector<2048x128xf32>, vector<128x128xf32>, vector<2048x128xf32> -> vector<2048x128xf32>
    %add3A_46 = arith.addf %add3A, %dot_general3A_45 : vector<2048x128xf32>
    %get3A_47 = arith.constant 0 : index
    %get3A_48 = arith.constant 0 : index
    %get3A_49 = vector.load %arg6[%get3A_47, %get3A_48] : memref<1x128xf32, #tpu.memory_space<vmem>>, vector<1x128xf32>
    %reshape3A_50 = vector.shape_cast %get3A_49 : vector<1x128xf32> to vector<1x1x128xf32>
    %mul3A_51 = vector.broadcast %broadcast_in_dim3A : vector<16x128x1xf32> to vector<16x128x128xf32>
    %mul3A_52 = vector.broadcast %reshape3A_50 : vector<1x1x128xf32> to vector<16x128x128xf32>
    %mul3A_53 = arith.mulf %mul3A_51, %mul3A_52 : vector<16x128x128xf32>
    %get3A_54 = arith.constant 0 : index
    %get3A_55 = arith.constant 0 : index
    %get3A_56 = vector.load %arg8[%get3A_54, %get3A_55] : memref<1x128xf32, #tpu.memory_space<vmem>>, vector<1x128xf32>
    %reshape3A_57 = vector.shape_cast %get3A_56 : vector<1x128xf32> to vector<1x1x128xf32>
    %mul3A_58 = vector.broadcast %broadcast_in_dim3A_8 : vector<16x128x1xf32> to vector<16x128x128xf32>
    %mul3A_59 = vector.broadcast %reshape3A_57 : vector<1x1x128xf32> to vector<16x128x128xf32>
    %mul3A_60 = arith.mulf %mul3A_58, %mul3A_59 : vector<16x128x128xf32>
    %add3A_61 = arith.addf %mul3A_53, %mul3A_60 : vector<16x128x128xf32>
    %reshape3A_62 = vector.shape_cast %add3A_61 : vector<16x128x128xf32> to vector<2048x128xf32>
    %get3A_63 = arith.constant 0 : index
    %get3A_64 = arith.constant 0 : index
    %get3A_65 = vector.load %arg10[%get3A_63, %get3A_64] : memref<1x128xf32, #tpu.memory_space<vmem>>, vector<1x128xf32>
    %add3A_66 = vector.broadcast %get3A_65 : vector<1x128xf32> to vector<2048x128xf32>
    %add3A_67 = arith.addf %add3A_46, %add3A_66 : vector<2048x128xf32>
    %add3A_68 = arith.addf %add3A_67, %reshape3A_62 : vector<2048x128xf32>
    %swap3A = arith.constant 0 : index
    %swap3A_69 = arith.constant 0 : index
    %swap3A_70 = vector.load %arg13[%swap3A, %swap3A_69] : memref<2048x128xf32, #tpu.memory_space<vmem>>, vector<2048x128xf32>
    tpu.vector_store %arg13[%swap3A, %swap3A_69], %add3A_68 {strides = array<i32>} : memref<2048x128xf32, #tpu.memory_space<vmem>>, vector<2048x128xf32>,
    %eq3A = arith.constant 0 : i32
    %eq3A_71 = arith.cmpi eq, %arg0, %eq3A : i32
    %convert_element_type3A = arith.extui %eq3A_71 : i1 to i32
    %cond3A = arith.constant 0 : i32
    %cond3A_72 = arith.cmpi ne, %convert_element_type3A, %cond3A : i32
    scf.if %cond3A_72 {
      %get3A_73 = arith.constant 0 : index
      %get3A_74 = arith.constant 0 : index
      %get3A_75 = vector.load %arg4[%get3A_73, %get3A_74] : memref<1x128xf32, #tpu.memory_space<vmem>>, vector<1x128xf32>
      %get3A_76 = arith.constant 0 : index
      %get3A_77 = arith.constant 0 : index
      %get3A_78 = vector.load %arg11[%get3A_76, %get3A_77] : memref<128x128xf32, #tpu.memory_space<vmem>>, vector<128x128xf32>
      %dot_general3A_79 = arith.constant dense<0.000000e+00> : vector<1x128xf32>
      %dot_general3A_80 = tpu.matmul %get3A_75, %get3A_78, %dot_general3A_79 {dimension_numbers = #tpu.dot_dimension_numbers<[1], [0], [0], [1], [0, 0, 1, 1], [], []>, precision = #tpu.contract_precision<fp32>, transpose_lhs_hint = false} : vector<1x128xf32>, vector<128x128xf32>, vector<1x128xf32> -> vector<1x128xf32>
      %get3A_81 = arith.constant 0 : index
      %get3A_82 = arith.constant 0 : index
      %get3A_83 = vector.load %arg12[%get3A_81, %get3A_82] : memref<1x128xf32, #tpu.memory_space<vmem>>, vector<1x128xf32>
      %add3A_84 = arith.addf %dot_general3A_80, %get3A_83 : vector<1x128xf32>
      %swap3A_85 = arith.constant 0 : index
      %swap3A_86 = arith.constant 0 : index
      %swap3A_87 = vector.load %arg14[%swap3A_85, %swap3A_86] : memref<1x128xf32, #tpu.memory_space<vmem>>, vector<1x128xf32>
      tpu.vector_store %arg14[%swap3A_85, %swap3A_86], %add3A_84 {strides = array<i32>} : memref<1x128xf32, #tpu.memory_space<vmem>>, vector<1x128xf32>,
    } else {
    }
    return
  }
  func.func @transform_0(%arg0: i32) -> (i32, i32) {
    %c0_i32 = arith.constant 0 : i32
    %c0_i32_0 = arith.constant 0 : i32
    return %arg0, %c0_i32 : i32, i32
  }
  func.func @transform_1(%arg0: i32) -> (i32, i32, i32) {
    %c0_i32 = arith.constant 0 : i32
    %c0_i32_0 = arith.constant 0 : i32
    %c0_i32_1 = arith.constant 0 : i32
    return %c0_i32, %arg0, %c0_i32_0 : i32, i32, i32
  }
  func.func @transform_2(%arg0: i32) -> (i32, i32) {
    %c0_i32 = arith.constant 0 : i32
    %c0_i32_0 = arith.constant 0 : i32
    return %c0_i32, %arg0 : i32, i32
  }
  func.func @transform_3(%arg0: i32) -> (i32, i32) {
    %c0_i32 = arith.constant 0 : i32
    %c0_i32_0 = arith.constant 0 : i32
    %c0_i32_1 = arith.constant 0 : i32
    return %c0_i32, %c0_i32_0 : i32, i32
  }
  func.func @transform_4(%arg0: i32) -> (i32, i32) {
    %c0_i32 = arith.constant 0 : i32
    %c0_i32_0 = arith.constant 0 : i32
    %c0_i32_1 = arith.constant 0 : i32
    return %c0_i32, %c0_i32_0 : i32, i32
  }
  func.func @transform_5(%arg0: i32) -> (i32, i32) {
    %c0_i32 = arith.constant 0 : i32
    %c0_i32_0 = arith.constant 0 : i32
    %c0_i32_1 = arith.constant 0 : i32
    return %c0_i32, %c0_i32_0 : i32, i32
  }
  func.func @transform_6(%arg0: i32) -> (i32, i32) {
    %c0_i32 = arith.constant 0 : i32
    %c0_i32_0 = arith.constant 0 : i32
    %c0_i32_1 = arith.constant 0 : i32
    return %c0_i32, %c0_i32_0 : i32, i32
  }
  func.func @transform_7(%arg0: i32) -> (i32, i32) {
    %c0_i32 = arith.constant 0 : i32
    %c0_i32_0 = arith.constant 0 : i32
    %c0_i32_1 = arith.constant 0 : i32
    return %c0_i32, %c0_i32_0 : i32, i32
  }
  func.func @transform_8(%arg0: i32) -> (i32, i32) {
    %c0_i32 = arith.constant 0 : i32
    %c0_i32_0 = arith.constant 0 : i32
    %c0_i32_1 = arith.constant 0 : i32
    return %c0_i32, %c0_i32_0 : i32, i32
  }
  func.func @transform_9(%arg0: i32) -> (i32, i32) {
    %c0_i32 = arith.constant 0 : i32
    %c0_i32_0 = arith.constant 0 : i32
    %c0_i32_1 = arith.constant 0 : i32
    return %c0_i32, %c0_i32_0 : i32, i32
  }
  func.func @transform_10(%arg0: i32) -> (i32, i32) {
    %c0_i32 = arith.constant 0 : i32
    %c0_i32_0 = arith.constant 0 : i32
    %c0_i32_1 = arith.constant 0 : i32
    return %c0_i32, %c0_i32_0 : i32, i32
  }
  func.func @transform_11(%arg0: i32) -> (i32, i32) {
    %c0_i32 = arith.constant 0 : i32
    %c0_i32_0 = arith.constant 0 : i32
    %c0_i32_1 = arith.constant 0 : i32
    return %c0_i32, %c0_i32_0 : i32, i32
  }
  func.func @transform_12(%arg0: i32) -> (i32, i32) {
    %c0_i32 = arith.constant 0 : i32
    %c0_i32_0 = arith.constant 0 : i32
    return %arg0, %c0_i32 : i32, i32
  }
  func.func @transform_13(%arg0: i32) -> (i32, i32) {
    %c0_i32 = arith.constant 0 : i32
    %c0_i32_0 = arith.constant 0 : i32
    %c0_i32_1 = arith.constant 0 : i32
    return %c0_i32, %c0_i32_0 : i32, i32
  }
}

</mosaic_0001>

<sc_bundles>
// kernel: kernel.4.cloned.1.call-start
scs
__scs_entry_jumppad:
0x0: {  	(pc) =	sbr.rel $0x88, $3  }
0x1: {  	(tag) =	ssettag $0x0;
	lr =	simm.s32 $0x1  }
0x2: {  	[smem:$0x3F96] =	sst lr;
	_ =	strace $0xD0000000  }
0x3: {  	_ = 	snop  }
0x4: {  	_ = 	snop  }
0x5: {  	_ = 	snop  }
0x6: {  	_ = 	snop  }
0x7: {  	_ = 	snop  }
__scs_overlays_trampoline_lowered:
0x8: {  	[smem:$0x3FA5] =	sst s0  }
0x9: {  	[smem:$0x3FA6] =	sst s1  }
0xa: {  	[smem:$0x3FA7] =	sst s2  }
0xb: {  	[smem:$0x3FA8] =	sst s3  }
0xc: {  	[smem:$0x3FA9] =	sst s4  }
0xd: {  	[smem:$0x3FAA] =	sst s5  }
0xe: {  	[smem:$0x3FAB] =	sst s6  }
0xf: {  	[smem:$0x3FAC] =	sst s7  }
0x10: {  	[smem:$0x3FAD] =	sst s8  }
0x11: {  	[smem:$0x3FAE] =	sst s9;
	s0 =	simm.s32 @!p0 $0x0  }
0x12: {  	s1 =	sld [smem:$0x3F94];
	s0 =	simm.s32 @p0 $0x1  }
0x13: {  	[smem:$0x3FAF] =	sst s0;
	s0 =	simm.s32 @!p1 $0x0  }
0x14: {  	s2 =	sld [smem:$0x3F93];
	s0 =	simm.s32 @p1 $0x1  }
0x15: {  	[smem:$0x3FB0] =	sst s0;
	s0 =	simm.s32 @!p2 $0x0  }
0x16: {  	s3 =	sld [smem:$0x3FDB];
	s0 =	simm.s32 @p2 $0x1  }
0x17: {  	s4 =	simm.s32 $0x1BF5;
	[smem:$0x3FB2] =	sst s0  }
0x18: {  	s0 =	sld [smem:$0x3F95];
	_ =	swait.ge [sflag:s4], $0x0  }
0x19: {  	s7 =	sld [smem:$0x3F96]  }
0x1a: {  	s8 =	sadd.s32 $0xFFFFE003, lr  }
0x1b: {  	s9 =	sadd.s32 $0xFFFFFEF7, lr;
	s5 =	simm.s32 $0xFFFFFFFF;
	p2 =	slt.u32 s8, $0xFFFFF086  }
0x1c: {  	p1 =	slt.u32 s9, $0xF7A;
	s5 =	simm.s32 @!p2 $0x0  }
0x1d: {  	s5 =	simm.s32 @p1 $0x1;
	p0 =	seq.s32 s7, s2  }
0x1e: {  	s7 =	smul.u32 @!p0 $0xF7A, s2;
	p2 =	seq.s32 @!p0 s5, $0x0  }
0x1f: {  	s9 =	smul.u32 $0xF7A, s1;
	s8 =	simm.s32 @!p0 $0x1BF5;
	p2 =	por !p2, p0  }
0x20: {  	[sflag:s8] =	ssyncset.s32 @!p0 $0xFFFFF086;
	s6 =	sadd.s32 @!p0 s3, s7;
	s7 =	simm.s32 @!p0 $0x108  }
0x21: {  	s3 =	sadd.s32 s3, s9;
	s6 =	sadd.s32 @!p0 $0x88, s6;
	s7 =	simm.s32 @p2 $0x1082  }
0x22: {  	[simem:s7], [sflag:s8] =	dma.local @!p0 [hbm:s6], $0xF7A  }
0x23: {  	s9 =	sor.u32 $0xD0000000, s2;
	s6 =	simm.s32 $0x108;
	_ =	swait.ge @!p0 [sflag:s8], $0x0  }
0x24: {  	s3 =	sadd.s32 $0x88, s3;
	s6 =	simm.s32 @!p1 $0x1082;
	[sflag:s4] =	ssyncset.s32 $0xFFFFF086  }
0x25: {  	[simem:s6], [sflag:s4] =	dma.local [hbm:s3], $0xF7A  }
0x26: {  	[smem:$0x3F96] =	sst s1;
	(tag) =	ssettag s2;
	_ =	strace s9  }
0x27: {  	s1 =	sld [smem:$0x3FA6]  }
0x28: {  	s2 =	sld [smem:$0x3FA7]  }
0x29: {  	s4 =	sld [smem:$0x3FA9]  }
0x2a: {  	p0 =	seq.s32 s5, $0x0;
	s5 =	sld [smem:$0x3FAA]  }
0x2b: {  	s6 =	sld [smem:$0x3FAB]  }
0x2c: {  	s7 =	sld [smem:$0x3FAC]  }
0x2d: {  	s3 =	simm.s32 $0x108;
	s8 =	sld [smem:$0x3FAD]  }
0x2e: {  	s3 =	simm.s32 @!p0 $0x1082;
	s9 =	sld [smem:$0x3FAE]  }
0x2f: {  	lr =	sadd.s32 s0, s3;
	s0 =	sld [smem:$0x3FA5]  }
0x30: {  	s3 =	sld [smem:$0x3FA8]  }
0x31: {  	[smem:$0x3FB1] =	sst s10  }
0x32: {  	s10 =	sld [smem:$0x3FAF];
	_ =	sdelay $0x3  }
0x33: {  	p0 =	seq.s32 s10, $0x1;
	s10 =	sld [smem:$0x3FB1];
	_ =	sdelay $0x3  }
0x34: {  	[smem:$0x3FB1] =	sst s10  }
0x35: {  	s10 =	sld [smem:$0x3FB0];
	_ =	sdelay $0x3  }
0x36: {  	p1 =	seq.s32 s10, $0x1;
	s10 =	sld [smem:$0x3FB1];
	_ =	sdelay $0x3  }
0x37: {  	[smem:$0x3FB1] =	sst s10  }
0x38: {  	s10 =	sld [smem:$0x3FB2]  }
0x39: {  	_ = 	snop;
	(pc) =	sbr.ind lr, $3  }
0x3a: {  	_ = 	snop  }
0x3b: {  	_ = 	snop  }
0x3c: {  	p2 =	seq.s32 s10, $0x1;
	s10 =	sld [smem:$0x3FB1]  }
0x3d: {  	_ =	shalt  }
0x3e: {  	_ =	shalt  }
0x3f: {  	_ =	shalt  }
0x40: {  	_ =	shalt  }
0x41: {  	_ =	shalt  }
0x42: {  	_ =	shalt  }
0x43: {  	_ =	shalt  }
0x44: {  	_ =	shalt  }
0x45: {  	_ =	shalt  }
0x46: {  	_ =	shalt  }
0x47: {  	_ =	shalt  }
0x48: {  	_ =	shalt  }
0x49: {  	_ =	shalt  }
0x4a: {  	_ =	shalt  }
0x4b: {  	_ =	shalt  }
0x4c: {  	_ =	shalt  }
0x4d: {  	_ =	shalt  }
0x4e: {  	_ =	shalt  }
0x4f: {  	_ =	shalt  }
0x50: {  	_ =	shalt  }
0x51: {  	_ =	shalt  }
0x52: {  	_ =	shalt  }
0x53: {  	_ =	shalt  }
0x54: {  	_ =	shalt  }
0x55: {  	_ =	shalt  }
0x56: {  	_ =	shalt  }
0x57: {  	_ =	shalt  }
0x58: {  	_ =	shalt  }
0x59: {  	_ =	shalt  }
0x5a: {  	_ =	shalt  }
0x5b: {  	_ =	shalt  }
0x5c: {  	_ =	shalt  }
0x5d: {  	_ =	shalt  }
0x5e: {  	_ =	shalt  }
0x5f: {  	_ =	shalt  }
0x60: {  	_ =	shalt  }
0x61: {  	_ =	shalt  }
0x62: {  	_ =	shalt  }
0x63: {  	_ =	shalt  }
0x64: {  	_ =	shalt  }
0x65: {  	_ =	shalt  }
0x66: {  	_ =	shalt  }
0x67: {  	_ =	shalt  }
0x68: {  	_ =	shalt  }
0x69: {  	_ =	shalt  }
0x6a: {  	_ =	shalt  }
0x6b: {  	_ =	shalt  }
0x6c: {  	_ =	shalt  }
0x6d: {  	_ =	shalt  }
0x6e: {  	_ =	shalt  }
0x6f: {  	_ =	shalt  }
0x70: {  	_ =	shalt  }
0x71: {  	_ =	shalt  }
0x72: {  	_ =	shalt  }
0x73: {  	_ =	shalt  }
0x74: {  	_ =	shalt  }
0x75: {  	_ =	shalt  }
0x76: {  	_ =	shalt  }
0x77: {  	_ =	shalt  }
0x78: {  	_ =	shalt  }
0x79: {  	_ =	shalt  }
0x7a: {  	_ =	shalt  }
0x7b: {  	_ =	shalt  }
0x7c: {  	_ =	shalt  }
0x7d: {  	_ =	shalt  }
0x7e: {  	_ =	shalt  }
0x7f: {  	_ =	shalt  }
0x80: {  	_ =	shalt  }
0x81: {  	_ =	shalt  }
0x82: {  	_ =	shalt  }
0x83: {  	_ =	shalt  }
0x84: {  	_ =	shalt  }
0x85: {  	_ =	shalt  }
0x86: {  	_ =	shalt  }
0x87: {  	_ =	shalt  }
.Lfunc_end0:
.L_simem_size_0:
called_computation_lowered:
.L_overlay_start_0:
0x88: {  	s2 =	sld [smem:$0x3FD9]  }
0x89: {  	s3 =	sld [smem:$0x3FFE];
	_ =	sdelay $0x1  }
0x8a: {  	s1 =	srdreg.scid  }
0x8b: {  	s0 =	sand.u32 $0x1, s1  }
0x8c: {  	s14 =	sshll.u32 s0, $0xA;
	s2 =	sadd.s32 s3, s2  }
0x8d: {  	s2 =	sadd.s32 s2, s14  }
0x8e: {  	[smem:$0x3FBD] =	sst s2  }
0x8f: {  	_ = 	snop  }
0x90: {  	s2 =	sld [smem:$0x3FD0];
	_ =	sdelay $0x2  }
0x91: {  	s4 =	simm.s32 $0xA;
	s5 =	simm.s32 $0x10;
	s15 =	sld [smem:$0x3FC9]  }
0x92: {  	[smem:s5], [sflag:s4] =	dma.local [hbm:s2], $0x1  }
0x93: {  	_ =	swait.eq [sflag:s4], $0x1  }
0x94: {  	[sflag:s4] =	ssyncset.done $0x0  }
0x95: {  	[sflag:s4] =	ssyncadd.s32 $0xFFFFFFFF  }
0x96: {  	s16 =	sld [smem:$0x10];
	(tm) =	ssettm $0x1  }
0x97: {  	s17 =	sld [smem:$0x3FFB];
	_ =	sdelay $0x3  }
0x98: {  	_ =	strace s17  }
0x99: {  	s4 =	sld [smem:$0x3FFC];
	_ =	sdelay $0x3  }
0x9a: {  	_ =	strace s4  }
0x9b: {  	s4 =	sld [smem:$0x3FFD];
	_ =	sdelay $0x3  }
0x9c: {  	_ =	strace s4  }
0x9d: {  	_ =	strace $0x8FFFFFFF  }
0x9e: {  	s18 =	sld [smem:$0x3FDB];
	_ =	sdelay $0x1  }
0x9f: {  	s19 =	simm.s32 $_scs_section_size  }
0xa0: {  	s6 =	simm.s32 $_size__tile_overlayer_lowered;
	s7 =	simm.s32 $_tile_overlayer_lowered  }
0xa1: {  	s22 =	simm.s32 $0x1BFF;
	s21 =	sshll.u32 s7, $0x1;
	s4 =	sadd.s32 s19, s18  }
0xa2: {  	s8 =	simm.s32 $0x0;
	s20 =	sshll.u32 s6, $0x1;
	s6 =	sadd.s32 s21, s4  }
0xa3: {  	[timem:s8], [sflag:s22] =	dma.local [hbm:s6], s20  }
0xa4: {  	_ =	swait.ge [sflag:s22], s20  }
0xa5: {  	s5 =	ssub.s32 $0x0, s20;
	[sflag:s22] =	ssyncset.done $0x0  }
0xa6: {  	[sflag:s22] =	ssyncadd.s32 s5;
	_ =	sdelay $0x1  }
0xa7: {  	s23 =	simm.s32 $0x1B8B  }
0xa8: {  	_ =	swait.ge [sflag:s23], $0x1  }
0xa9: {  	[sflag:s23] =	ssyncset.done $0x0  }
0xaa: {  	s25 =	simm.s32 $0x1B8E;
	s24 =	sld [smem:$0x3FFE];
	[sflag:s23] =	ssyncadd.s32 $0xFFFFFFFF  }
0xab: {  	s26 =	simm.s32 $execute0_lowered;
	[smem:$0x3FD2] =	sst s25  }
0xac: {  	s6 =	sshll.u32 s26, $0x1;
	_ =	strace $0x80000046;
	[dreg:$0x1] =	wrdreg $0xFFFFFFFF  }
0xad: {  	s28 =	simm.s32 $_size_execute0_lowered;
	s4 =	sadd.s32 s4, s6;
	[dreg:$0x0] =	wrdreg $0x0  }
0xae: {  	s6 =	sshll.u32 s28, $0x1;
	[dreg:$0x2] =	wrdreg s4  }
0xaf: {  	[dreg:$0x3] =	wrdreg s6  }
0xb0: {  	[dreg:$0x4] =	wrdreg $0xC0  }
0xb1: {  	_ =	task [dreg:s8], $0x5FFFF  }
0xb2: {  	[dreg:$0x1] =	wrdreg $0xFFFFFFFF  }
0xb3: {  	[dreg:$0x0] =	wrdreg $0x60  }
0xb4: {  	[dreg:$0x2] =	wrdreg s15  }
0xb5: {  	[dreg:$0x3] =	wrdreg s16  }
0xb6: {  	[dreg:$0x4] =	wrdreg s24  }
0xb7: {  	[dreg:$0x5] =	wrdreg $0x0  }
0xb8: {  	[dreg:$0x6] =	wrdreg $0x138800  }
0xb9: {  	[dreg:$0x7] =	wrdreg $0x9  }
0xba: {  	_ =	task.clear_ibuf [dreg:s8], $0x8FFFF;
	_ =	strace $0x90000046  }
0xbb: {  	s29 =	simm.s32 $0x9;
	_ =	strace $0x80000048  }
0xbc: {  	_ =	swait.ge [sflag:s29], $0x1  }
0xbd: {  	[sflag:s29] =	ssyncadd.s32 $0xFFFFFFFF  }
0xbe: {  	_ =	strace $0x90000048  }
0xbf: {  	_ =	sfence  }
0xc0: {  	s30 =	sld [smem:$0x0];
	_ =	sdelay $0x2  }
0xc1: {  	s31 =	sshll.u32 s1, $0xD;
	s1 =	sshrl.u32 s1, $0x2  }
0xc2: {  	s3 =	sand.u32 $0x4000, s31;
	s1 =	sadd.s32 s1, s30  }
0xc3: {  	s0 =	sor.u32 s3, s0;
	s1 =	sshll.u32 s1, $0x11  }
0xc4: {  	s0 =	sor.u32 s1, s0  }
0xc5: {  	s0 =	sadd.s32 $0x8F2B, s0  }
0xc6: {  	[sflag:s0] =	ssyncadd.remote.s32 $0x1  }
0xc7: {  	_ =	sfence.sel $0xFFFF  }
0xc8: {  	[dreg:$0x0] =	wrdreg $0xFFFFFFFF;
	(pc) =	sbr.abs _section_cstart, $3  }
0xc9: {  	[dreg:$0x1] =	wrdreg $0xFFFFFFFF  }
0xca: {  	_ =	task.clear_ibuf [dreg:s8], $0x2FFFF;
	_ =	strace $0x9FFFFFFF  }
0xcb: {  	(tm) =	ssettm $0x7FFFFFFF  }
tec
execute0_lowered:
.L_overlay_start_1:
0x0: {  	(tag) =	ssettag $0x1  }
0x1: {  	s1 =	rddreg [dreg:$0x0]  }
0x2: {  	s0 =	rddreg [dreg:$0x1]  }
0x3: {  	s2 =	rddreg [dreg:$0x2];
	s4 =	srdreg.scid  }
0x4: {  	s18 =	stileid.u32;
	s3 =	rddreg [dreg:$0x3];
	s5 =	simm.s32 $0x0  }
0x5: {  	s28 =	simm.s32 $0x17B00;
	s29 =	simm.s32 $0x1;
	s30 =	simm.s32 $0x2  }
0x6: {  	s6 =	sand.u32 $0x1, s4;
	s7 =	smul.u32 $0x13880, s18;
	s4 =	rddreg [dreg:$0x4]  }
0x7: {  	s31 =	simm.s32 $0x1E280;
	s10 =	smul.u32 $0x280, s18;
	[smem:$0x7FF] =	sst s5  }
0x8: {  	s12 =	sadd.s32 $0x2800, s2;
	s26 =	smul.u32 $0x4E, s18;
	s13 =	sadd.s32 $0x2600, s2  }
0x9: {  	s17 =	smin.u32 s18, $0x2;
	s21 =	sshll.u32 s18, $0x6;
	s8 =	smul.u32 $0x138800, s6  }
0xa: {  	p0 =	sgt.u32 s18, $0x1;
	s9 =	smul.u32 $0x2800, s6;
	_ =	strace $0x80000047  }
0xb: {  	s11 =	smul.u32 $0x4E2, s6;
	[dreg:$0x6] =	wrdreg s12;
	s6 =	ssub.s32 $0x2, s6  }
0xc: {  	[dreg:$0x7] =	wrdreg s13;
	s19 =	sshrl.u32 s6, $0x1;
	s22 =	sadd.s32 s10, s4  }
0xd: {  	s8 =	sadd.s32 s7, s8;
	s15 =	sadd.s32 s10, s9;
	s16 =	sadd.s32 s26, s11  }
0xe: {  	s6 =	ssub.s32 s6, s19;
	s7 =	sadd.s32 s7, s3;
	s19 =	simm.s32 $0x4  }
0xf: {  	s8 =	sshrl.u32 s8, $0x3;
	s9 =	sadd.s32 s17, s16;
	s18 =	sshrl.u32 s7, $0x3  }
0x10: {  	s14 =	sadd.s32 s8, s2;
	s8 =	sshrl.u32 s15, $0x3;
	s20 =	sshll.u32 s9, $0x4  }
0x11: {  	s9 =	sor.u32 $0x1C04, s21;
	s15 =	smax.u32 s6, $0x1;
	s21 =	simm.s32 $0x1BC00  }
0x12: {  	s2 =	sadd.s32 s8, s2;
	s8 =	sadd.s32 s0, s20;
	s26 =	sadd.s32 $0x5A00, s14  }
0x13: {  	s20 =	sshrl.u32 s22, $0x3;
	s22 =	simm.s32 $0x1BB00;
	s0 =	simm.s32 $0x3  }
0x14: {  	s23 =	sadd.s32 $0x9C40, s8;
	s24 =	sadd.s32 $0xA120, s8;
	[dreg:$0xb] =	wrdreg s26  }
0x15: {  	s25 =	sadd.s32 $0x4E0, s8;
	s14 =	sadd.s32 $0x5000, s2;
	[dreg:$0x8] =	wrdreg s23  }
0x16: {  	s16 =	sadd.s32 $0x4D0, s8;
	s17 =	sadd.s32 $0x20, s8;
	[dreg:$0x9] =	wrdreg s24  }
0x17: {  	s26 =	simm.s32 $0x1BB80;
	s2 =	simm.s32 $0x0;
	[dreg:$0xa] =	wrdreg s25  }
0x18: {  	v0 =	vimm.f32 $1.000000000e+00;
	s23 =	simm.s32 $0x80;
	s24 =	simm.s32 $0x13B00;
	s25 =	simm.s32 $0x1E380  }
.LBB2_1:
0x19: {  	s6 =	rddreg [dreg:$0x6]  }
0x1a: {  	[spmem:s18], [sflag:s9] =	dma.local [hbm:s6], $0x2710  }
0x1b: {  	_ =	swait.ge [sflag:s19], $0x2710  }
0x1c: {  	[sflag:s19] =	ssyncset.done $0x0  }
0x1d: {  	s13 =	rddreg [dreg:$0x7];
	[sflag:s19] =	ssyncadd.s32 $0xFFFFD8F0  }
0x1e: {  	[spmem:s20], [sflag:s9] =	dma.local [hbm:s13], $0x50  }
0x1f: {  	_ =	swait.ge [sflag:s19], $0x50  }
0x20: {  	[sflag:s19] =	ssyncset.done $0x0  }
0x21: {  	[sflag:s19] =	ssyncadd.s32 $0xFFFFFFB0  }
0x22: {  	[tilespmem:$0x1E380] =	vst v0  }
0x23: {  	[tilespmem:$0x1E390] =	vst v0  }
0x24: {  	[tilespmem:$0x1E3A0] =	vst v0  }
0x25: {  	[tilespmem:$0x1E3B0] =	vst v0  }
0x26: {  	[tilespmem:$0x1E3C0] =	vst v0  }
0x27: {  	[tilespmem:$0x1E3D0] =	vst v0  }
0x28: {  	[tilespmem:$0x1E3E0] =	vst v0  }
0x29: {  	s7 =	rddreg [dreg:$0x8];
	[tilespmem:$0x1E3F0] =	vst v0  }
0x2a: {  	[tilespmem:s21], [sflag:$0x4] =	stream.linear.gather [hbm4b:s7+s5], $0x2700, $0x38;
	[tilespmem:$0x1E400] =	vst v63  }
0x2b: {  	_ =	swait.ge [sflag:s19], $0x2700  }
0x2c: {  	s6 =	simm.s32 @!p0 $0x0;
	[sflag:s19] =	ssyncset.done $0x0  }
0x2d: {  	s7 =	simm.s32 @!p0 $0x1E300;
	s10 =	rddreg [dreg:$0x9];
	[sflag:s19] =	ssyncadd.s32 $0xFFFFD900  }
0x2e: {  	[tilespmem:s7], [sflag:$0x4] =	stream.linear.gather @!p0 [hbm4b:s10+s6], $0x80, $0x38;
	[tilespmem:$0x1E400] =	vst v63  }
0x2f: {  	s6 =	simm.s32 @!p0 $0x4  }
0x30: {  	_ =	swait.ge @!p0 [sflag:s6], $0x80  }
0x31: {  	[sflag:s6] =	ssyncset.done @!p0 $0x0  }
0x32: {  	[sflag:s6] =	ssyncadd.s32 @!p0 $0xFFFFFF80  }
0x33: {  	[bflag:$0x0] =	sbarrier.arrive $0xFFFF  }
0x34: {  	[tilespmem:s22], [sflag:$0x4] =	stream.linear.gather [hbm4b:s8+s5], $0x80, $0x38;
	[tilespmem:$0x1E400] =	vst v63  }
0x35: {  	_ =	swait.ge [sflag:s19], $0x80  }
0x36: {  	[sflag:s19] =	ssyncset.done $0x0  }
0x37: {  	[sflag:s19] =	ssyncadd.s32 $0xFFFFFF80  }
0x38: {  	[tilespmem:s24], [sflag:$0x1] =	stream.indirect.gather [hbm4b:s1+s23], $0x80, s22, s23, $0xb8;
	[tilespmem:$0x1E400] =	vst v63  }
0x39: {  	_ = 	snop  }
0x3a: {  	[spmem:s4] =	stream.indirect.scatter.add.f32 [tilespmem:s25], [sflag:$0x3], $0x1, s21, s23, $0xb8;
	[tilespmem:$0x1E400] =	vst v63  }
0x3b: {  	s10 =	sadd.s32 $0xFFFFFFF0, s17  }
0x3c: {  	[tilespmem:s26], [sflag:$0x4] =	stream.linear.gather [hbm4b:s10+s5], $0x80, $0x38;
	[tilespmem:$0x1E400] =	vst v63  }
0x3d: {  	_ =	swait.ge [sflag:s19], $0x80  }
0x3e: {  	[sflag:s19] =	ssyncset.done $0x0  }
0x3f: {  	[sflag:s19] =	ssyncadd.s32 $0xFFFFFF80  }
0x40: {  	[tilespmem:s28], [sflag:$0x2] =	stream.indirect.gather [hbm4b:s1+s23], $0x80, s26, s23, $0xb8;
	[tilespmem:$0x1E400] =	vst v63  }
0x41: {  	s11 =	simm.s32 $0x1BC80  }
0x42: {  	[spmem:s4] =	stream.indirect.scatter.add.f32 [tilespmem:s25], [sflag:$0x3], $0x1, s11, s23, $0xb8;
	[tilespmem:$0x1E400] =	vst v63  }
0x43: {  	_ =	swait.ge [sflag:s29], $0x4000  }
0x44: {  	[sflag:s29] =	ssyncset.done $0x0  }
0x45: {  	s12 =	simm.s32 $0x1BC00;
	[sflag:s29] =	ssyncadd.s32 $0xFFFFC000  }
0x46: {  	[spmem:s3] =	stream.indirect.scatter.add.f32 [tilespmem:s24], [sflag:$0x4], $0x80, s12, s23, $0xb8;
	[tilespmem:$0x1E400] =	vst v63  }
0x47: {  	_ =	swait.ge [sflag:s19], $0x4000  }
0x48: {  	[sflag:s19] =	ssyncset.done $0x0  }
0x49: {  	[sflag:s19] =	ssyncadd.s32 $0xFFFFC000  }
0x4a: {  	[tilespmem:s22], [sflag:$0x4] =	stream.linear.gather [hbm4b:s17+s5], $0x80, $0x38;
	[tilespmem:$0x1E400] =	vst v63  }
0x4b: {  	_ =	swait.ge [sflag:s19], $0x80  }
0x4c: {  	[sflag:s19] =	ssyncset.done $0x0  }
0x4d: {  	[sflag:s19] =	ssyncadd.s32 $0xFFFFFF80  }
0x4e: {  	[tilespmem:s24], [sflag:$0x1] =	stream.indirect.gather [hbm4b:s1+s23], $0x80, s22, s23, $0xb8;
	[tilespmem:$0x1E400] =	vst v63  }
0x4f: {  	s13 =	simm.s32 $0x1BD00  }
0x50: {  	[spmem:s4] =	stream.indirect.scatter.add.f32 [tilespmem:s25], [sflag:$0x3], $0x1, s13, s23, $0xb8;
	[tilespmem:$0x1E400] =	vst v63  }
0x51: {  	_ =	swait.ge [sflag:s30], $0x4000  }
0x52: {  	[sflag:s30] =	ssyncset.done $0x0  }
0x53: {  	[sflag:s30] =	ssyncadd.s32 $0xFFFFC000  }
0x54: {  	[spmem:s3] =	stream.indirect.scatter.add.f32 [tilespmem:s28], [sflag:$0x4], $0x80, s11, s23, $0xb8;
	[tilespmem:$0x1E400] =	vst v63  }
0x55: {  	s7 =	simm.s32 $0x400;
	_ =	swait.ge [sflag:s19], $0x4000  }
0x56: {  	s6 =	sadd.s32 $0x20, s17;
	s10 =	simm.s32 $0x800;
	[sflag:s19] =	ssyncset.done $0x0  }
.LBB2_2:
0x57: {  	p1 =	sne.s32 s10, $0x9400;
	s11 =	sadd.s32 $0xFFFFFFF0, s6;
	[sflag:s19] =	ssyncadd.s32 $0xFFFFC000  }
0x58: {  	[tilespmem:s26], [sflag:$0x4] =	stream.linear.gather [hbm4b:s11+s5], $0x80, $0x38;
	[tilespmem:$0x1E400] =	vst v63  }
0x59: {  	s11 =	smov.u32 s10;
	s10 =	sadd.s32 $0x400, s10;
	_ =	swait.ge [sflag:s19], $0x80  }
0x5a: {  	[sflag:s19] =	ssyncset.done $0x0  }
0x5b: {  	s12 =	sshra.s32 s7, $0x2;
	s7 =	smov.u32 s11;
	[sflag:s19] =	ssyncadd.s32 $0xFFFFFF80  }
0x5c: {  	[tilespmem:s28], [sflag:$0x2] =	stream.indirect.gather [hbm4b:s1+s23], $0x80, s26, s23, $0xb8;
	[tilespmem:$0x1E400] =	vst v63  }
0x5d: {  	s11 =	sadd.s32 $0x1BC80, s12  }
0x5e: {  	[spmem:s4] =	stream.indirect.scatter.add.f32 [tilespmem:s25], [sflag:$0x3], $0x1, s11, s23, $0xb8;
	[tilespmem:$0x1E400] =	vst v63  }
0x5f: {  	_ =	swait.ge [sflag:s29], $0x4000  }
0x60: {  	[sflag:s29] =	ssyncset.done $0x0  }
0x61: {  	s13 =	sadd.s32 $0x1BC00, s12;
	[sflag:s29] =	ssyncadd.s32 $0xFFFFC000  }
0x62: {  	[spmem:s3] =	stream.indirect.scatter.add.f32 [tilespmem:s24], [sflag:$0x4], $0x80, s13, s23, $0xb8;
	[tilespmem:$0x1E400] =	vst v63  }
0x63: {  	_ =	swait.ge [sflag:s19], $0x4000  }
0x64: {  	[sflag:s19] =	ssyncset.done $0x0  }
0x65: {  	[sflag:s19] =	ssyncadd.s32 $0xFFFFC000  }
0x66: {  	[tilespmem:s22], [sflag:$0x4] =	stream.linear.gather [hbm4b:s6+s5], $0x80, $0x38;
	[tilespmem:$0x1E400] =	vst v63  }
0x67: {  	_ =	swait.ge [sflag:s19], $0x80  }
0x68: {  	[sflag:s19] =	ssyncset.done $0x0  }
0x69: {  	[sflag:s19] =	ssyncadd.s32 $0xFFFFFF80  }
0x6a: {  	[tilespmem:s24], [sflag:$0x1] =	stream.indirect.gather [hbm4b:s1+s23], $0x80, s22, s23, $0xb8;
	[tilespmem:$0x1E400] =	vst v63  }
0x6b: {  	s12 =	sadd.s32 $0x1BD00, s12  }
0x6c: {  	[spmem:s4] =	stream.indirect.scatter.add.f32 [tilespmem:s25], [sflag:$0x3], $0x1, s12, s23, $0xb8;
	[tilespmem:$0x1E400] =	vst v63  }
0x6d: {  	_ =	swait.ge [sflag:s30], $0x4000  }
.Ltmp0:
0x6e: {  	[sflag:s30] =	ssyncset.done $0x0;
	(pc) =	sbr.rel @p1 .LBB2_2-.Ltmp0, $4  }
0x6f: {  	[sflag:s30] =	ssyncadd.s32 $0xFFFFC000  }
0x70: {  	[spmem:s3] =	stream.indirect.scatter.add.f32 [tilespmem:s28], [sflag:$0x4], $0x80, s11, s23, $0xb8;
	[tilespmem:$0x1E400] =	vst v63  }
0x71: {  	_ =	swait.ge [sflag:s19], $0x4000  }
0x72: {  	s6 =	sadd.s32 $0x20, s6;
	[sflag:s19] =	ssyncset.done $0x0  }
0x73: {  	s10 =	sadd.s32 $0xFFFFFFF0, s6;
	[sflag:s19] =	ssyncadd.s32 $0xFFFFC000  }
0x74: {  	[tilespmem:s26], [sflag:$0x4] =	stream.linear.gather [hbm4b:s10+s5], $0x80, $0x38;
	[tilespmem:$0x1E400] =	vst v63  }
0x75: {  	_ =	swait.ge [sflag:s19], $0x80  }
0x76: {  	[sflag:s19] =	ssyncset.done $0x0  }
0x77: {  	s7 =	sshra.s32 s7, $0x2;
	[sflag:s19] =	ssyncadd.s32 $0xFFFFFF80  }
0x78: {  	[tilespmem:s28], [sflag:$0x2] =	stream.indirect.gather [hbm4b:s1+s23], $0x80, s26, s23, $0xb8;
	[tilespmem:$0x1E400] =	vst v63  }
0x79: {  	s13 =	sadd.s32 $0x1BC80, s7  }
0x7a: {  	[spmem:s4] =	stream.indirect.scatter.add.f32 [tilespmem:s25], [sflag:$0x3], $0x1, s13, s23, $0xb8;
	[tilespmem:$0x1E400] =	vst v63  }
0x7b: {  	_ =	swait.ge [sflag:s29], $0x4000  }
0x7c: {  	[sflag:s29] =	ssyncset.done $0x0  }
0x7d: {  	s11 =	sadd.s32 $0x1BC00, s7;
	[sflag:s29] =	ssyncadd.s32 $0xFFFFC000  }
0x7e: {  	[spmem:s3] =	stream.indirect.scatter.add.f32 [tilespmem:s24], [sflag:$0x4], $0x80, s11, s23, $0xb8;
	[tilespmem:$0x1E400] =	vst v63  }
0x7f: {  	_ =	swait.ge [sflag:s19], $0x4000  }
0x80: {  	[sflag:s19] =	ssyncset.done $0x0  }
0x81: {  	[sflag:s19] =	ssyncadd.s32 $0xFFFFC000  }
0x82: {  	[tilespmem:s22], [sflag:$0x4] =	stream.linear.gather [hbm4b:s6+s5], $0x80, $0x38;
	[tilespmem:$0x1E400] =	vst v63  }
0x83: {  	_ =	swait.ge [sflag:s19], $0x80  }
0x84: {  	[sflag:s19] =	ssyncset.done $0x0  }
0x85: {  	[sflag:s19] =	ssyncadd.s32 $0xFFFFFF80  }
0x86: {  	[tilespmem:s24], [sflag:$0x1] =	stream.indirect.gather [hbm4b:s1+s23], $0x80, s22, s23, $0xb8;
	[tilespmem:$0x1E400] =	vst v63  }
0x87: {  	s12 =	sadd.s32 $0x1BD00, s7  }
0x88: {  	[spmem:s4] =	stream.indirect.scatter.add.f32 [tilespmem:s25], [sflag:$0x3], $0x1, s12, s23, $0xb8;
	[tilespmem:$0x1E400] =	vst v63  }
0x89: {  	_ =	swait.ge [sflag:s30], $0x4000  }
0x8a: {  	[sflag:s30] =	ssyncset.done $0x0  }
0x8b: {  	[sflag:s30] =	ssyncadd.s32 $0xFFFFC000  }
0x8c: {  	[spmem:s3] =	stream.indirect.scatter.add.f32 [tilespmem:s28], [sflag:$0x4], $0x80, s13, s23, $0xb8;
	[tilespmem:$0x1E400] =	vst v63  }
0x8d: {  	_ =	swait.ge [sflag:s19], $0x4000  }
0x8e: {  	[sflag:s19] =	ssyncset.done $0x0  }
0x8f: {  	[sflag:s19] =	ssyncadd.s32 $0xFFFFC000  }
0x90: {  	[tilespmem:s26], [sflag:$0x4] =	stream.linear.gather [hbm4b:s16+s5], $0x80, $0x38;
	[tilespmem:$0x1E400] =	vst v63  }
0x91: {  	_ =	swait.ge [sflag:s19], $0x80  }
0x92: {  	[sflag:s19] =	ssyncset.done $0x0  }
0x93: {  	[sflag:s19] =	ssyncadd.s32 $0xFFFFFF80  }
0x94: {  	[tilespmem:s28], [sflag:$0x2] =	stream.indirect.gather [hbm4b:s1+s23], $0x80, s26, s23, $0xb8;
	[tilespmem:$0x1E400] =	vst v63  }
0x95: {  	_ = 	snop  }
0x96: {  	[spmem:s4] =	stream.indirect.scatter.add.f32 [tilespmem:s25], [sflag:$0x3], $0x1, s31, s23, $0xb8;
	[tilespmem:$0x1E400] =	vst v63  }
0x97: {  	_ =	swait.ge [sflag:s29], $0x4000  }
0x98: {  	[sflag:s29] =	ssyncset.done $0x0  }
0x99: {  	s13 =	simm.s32 $0x1E200;
	[sflag:s29] =	ssyncadd.s32 $0xFFFFC000  }
0x9a: {  	[spmem:s3] =	stream.indirect.scatter.add.f32 [tilespmem:s24], [sflag:$0x4], $0x80, s13, s23, $0xb8;
	[tilespmem:$0x1E400] =	vst v63  }
0x9b: {  	_ =	swait.ge [sflag:s19], $0x4000  }
0x9c: {  	[sflag:s19] =	ssyncset.done $0x0  }
0x9d: {  	[sflag:s19] =	ssyncadd.s32 $0xFFFFC000  }
0x9e: {  	_ =	swait.ge [sflag:s30], $0x4000  }
0x9f: {  	[sflag:s30] =	ssyncset.done $0x0  }
0xa0: {  	[sflag:s30] =	ssyncadd.s32 $0xFFFFC000  }
0xa1: {  	[spmem:s3] =	stream.indirect.scatter.add.f32 [tilespmem:s28], [sflag:$0x4], $0x80, s31, s23, $0xb8;
	[tilespmem:$0x1E400] =	vst v63  }
0xa2: {  	_ =	swait.ge [sflag:s19], $0x4000  }
0xa3: {  	s7 =	simm.s32 @!p0 $0x1BB00;
	[sflag:s19] =	ssyncset.done $0x0  }
0xa4: {  	s6 =	simm.s32 @!p0 $0x0;
	s10 =	rddreg [dreg:$0xa];
	[sflag:s19] =	ssyncadd.s32 $0xFFFFC000  }
0xa5: {  	[tilespmem:s7], [sflag:$0x4] =	stream.linear.gather @!p0 [hbm4b:s10+s6], $0x80, $0x38;
	[tilespmem:$0x1E400] =	vst v63  }
0xa6: {  	s6 =	simm.s32 @!p0 $0x4  }
0xa7: {  	_ =	swait.ge @!p0 [sflag:s6], $0x80  }
0xa8: {  	[sflag:s6] =	ssyncset.done @!p0 $0x0  }
0xa9: {  	s11 =	simm.s32 @!p0 $0x13B00;
	s10 =	simm.s32 @!p0 $0x80;
	[sflag:s6] =	ssyncadd.s32 @!p0 $0xFFFFFF80  }
0xaa: {  	[tilespmem:s11], [sflag:$0x1] =	stream.indirect.gather @!p0 [hbm4b:s1+s10], $0x80, s7, s10, $0xb8;
	[tilespmem:$0x1E400] =	vst v63  }
0xab: {  	s12 =	simm.s32 @!p0 $0x1E380;
	s7 =	simm.s32 @!p0 $0x1E300  }
0xac: {  	[spmem:s4] =	stream.indirect.scatter.add.f32 @!p0 [tilespmem:s12], [sflag:$0x3], $0x1, s7, s10, $0xb8;
	[tilespmem:$0x1E400] =	vst v63  }
0xad: {  	s12 =	simm.s32 @!p0 $0x1  }
0xae: {  	_ =	swait.ge @!p0 [sflag:s12], $0x4000  }
0xaf: {  	[sflag:s12] =	ssyncset.done @!p0 $0x0  }
0xb0: {  	[sflag:s12] =	ssyncadd.s32 @!p0 $0xFFFFC000  }
0xb1: {  	[spmem:s3] =	stream.indirect.scatter.add.f32 @!p0 [tilespmem:s11], [sflag:$0x4], $0x80, s7, s10, $0xb8;
	[tilespmem:$0x1E400] =	vst v63  }
0xb2: {  	s7 =	simm.s32 @!p0 $0x4F  }
0xb3: {  	s7 =	simm.s32 @p0 $0x4E  }
0xb4: {  	p1 =	sne.s32 s7, $0x1  }
.Ltmp1:
0xb5: {  	_ =	swait.ge @!p0 [sflag:s6], $0x4000;
	(pc) =	sbr.rel @!p1 .LBB2_5-.Ltmp1, $4  }
0xb6: {  	[sflag:s6] =	ssyncset.done @!p0 $0x0  }
0xb7: {  	[sflag:s6] =	ssyncadd.s32 @!p0 $0xFFFFC000  }
0xb8: {  	_ =	swait.ge [sflag:s0], $0x80  }
0xb9: {  	s6 =	sadd.s32 $0xFFFFFFFF, s7;
	[sflag:s0] =	ssyncset.done $0x0  }
.LBB2_4:
0xba: {  	p1 =	sne.s32 s6, $0x1;
	s6 =	sadd.s32 $0xFFFFFFFF, s6;
	[sflag:s0] =	ssyncadd.s32 $0xFFFFFF80  }
.Ltmp2:
0xbb: {  	(pc) =	sbr.rel @p1 .LBB2_4-.Ltmp2, $3  }
0xbc: {  	_ =	sdelay $0x1  }
0xbd: {  	_ =	swait.ge [sflag:s0], $0x80  }
0xbe: {  	[sflag:s0] =	ssyncset.done $0x0  }
.LBB2_5:
0xbf: {  	[sflag:s0] =	ssyncadd.s32 $0xFFFFFF80  }
0xc0: {  	[bflag:$0x0] =	sbarrier.arrive $0xFFFF  }
0xc1: {  	s6 =	rddreg [dreg:$0xb]  }
0xc2: {  	[hbm:s6], [sflag:s9] =	dma.local [spmem:s18], $0x2710  }
0xc3: {  	s2 =	sadd.s32 $0x1, s2;
	_ =	swait.ge [sflag:s19], $0x2710  }
0xc4: {  	p1 =	sne.s32 s2, s15;
	[sflag:s19] =	ssyncset.done $0x0  }
.Ltmp3:
0xc5: {  	[sflag:s19] =	ssyncadd.s32 $0xFFFFD8F0;
	(pc) =	sbr.rel @p1 .LBB2_1-.Ltmp3, $4  }
0xc6: {  	[hbm:s14], [sflag:s9] =	dma.local [spmem:s20], $0x50  }
0xc7: {  	_ =	swait.ge [sflag:s19], $0x50  }
0xc8: {  	[sflag:s19] =	ssyncset.done $0x0  }
0xc9: {  	[sflag:s19] =	ssyncadd.s32 $0xFFFFFFB0  }
0xca: {  	_ =	sfence.sel $0x180000  }
0xcb: {  	[bflag:$0x0] =	sbarrier.arrive $0xFFFF  }
0xcc: {  	_ =	strace $0x90000047  }
0xcd: {  	s0 =	stileid.u32;
	[bflag:$0x2] =	sbarrier.arrive $0xFFFF  }
0xce: {  	p0 =	sne.s32 s0, $0x0;
	s0 =	rddreg [dreg:$0x5]  }
0xcf: {  	s0 =	sadd.s32 @!p0 $0x100000, s0  }
0xd0: {  	[sflag:s0] =	ssyncadd.tile.s32 @!p0 $0x1;
	_ =	shalt  }
.Lfunc_end2:
_tile_overlayer_lowered:
.L_overlay_start_2:
0xd1: {  	(tag) =	ssettag $0x2  }
0xd2: {  	s0 =	rddreg [dreg:$0x0];
	s2 =	stileid.u32  }
0xd3: {  	s1 =	rddreg [dreg:$0x1];
	p0 =	sne.s32 s2, $0x0  }
0xd4: {  	s3 =	rddreg [dreg:$0x2];
	[bflag:$0x3] =	sbarrier.arrive $0xFFFF;
	s2 =	simm.s32 @!p0 $0x1C04  }
0xd5: {  	[timem:s3], [sflag:s2] =	dma.local @!p0 [hbm:s0], s1  }
0xd6: {  	s0 =	simm.s32 @!p0 $0x4  }
0xd7: {  	_ =	swait.ge @!p0 [sflag:s0], s1  }
0xd8: {  	s1 =	ssub.s32 @!p0 $0x0, s1;
	[sflag:s0] =	ssyncset.done @!p0 $0x0  }
0xd9: {  	[sflag:s0] =	ssyncadd.s32 @!p0 s1  }
0xda: {  	[bflag:$0x3] =	sbarrier.arrive $0xFFFF  }
0xdb: {  	_ =	shalt  }

</sc_bundles>
